<compile_context>
chip_gen: v7x
topology: tpu7x:2x2x1
jax: 0.10.2.dev20260603
libtpu: 0.0.44.dev20260713+nightly
codegen_flags: <defaults>
</compile_context>

<pallas_src>
import functools

import jax
import jax.numpy as jnp
from jax import lax
from jax.experimental import pallas as pl
from jax.experimental.pallas import tpu as pltpu
from jax.experimental.pallas import tpu_sc as plsc

N = 10000
E = 320000
D = 128
DH = D // 2
NC = 2
NS = 16
LANES = 16

EDGES_PER_S = E // NS
TILE_E = 80
ROWS_PER_S = 632
NP = ROWS_PER_S * NS


def _sc_aggregate(x2, src, dst, vals):
    mesh = plsc.VectorSubcoreMesh(core_axis_name="c", subcore_axis_name="s")

    @functools.partial(
        pl.kernel,
        mesh=mesh,
        compiler_params=pltpu.CompilerParams(use_tc_tiling_on_sc=False),
        out_type=jax.ShapeDtypeStruct((NC, NP, DH), jnp.float32),
        scratch_types=[
            pltpu.VMEM((ROWS_PER_S, DH), jnp.float32),
            pltpu.VMEM((TILE_E,), jnp.int32),
            pltpu.VMEM((TILE_E,), jnp.int32),
            pltpu.VMEM((TILE_E,), jnp.int32),
            pltpu.VMEM((TILE_E,), jnp.float32),
            pltpu.VMEM((TILE_E, DH), jnp.float32),
            pltpu.VMEM_SHARED((NP, DH), jnp.float32),
            pltpu.SemaphoreType.DMA,
        ],
    )
    def agg_kernel(x_hbm, src_hbm, dst_hbm, vals_hbm, out_hbm,
                   zbuf, src_v, gidx_v, dst_v, vals_v, rows_v, acc, sem):
        c = lax.axis_index("c")
        s = lax.axis_index("s")

        @pl.loop(0, ROWS_PER_S)
        def _(i):
            @pl.loop(0, DH, step=LANES)
            def _(j):
                zbuf[i, pl.ds(j, LANES)] = jnp.zeros((LANES,), jnp.float32)

        pltpu.sync_copy(zbuf, acc.at[pl.ds(s * ROWS_PER_S, ROWS_PER_S)])

        plsc.subcore_barrier()

        base_s = s * EDGES_PER_S

        @pl.loop(0, EDGES_PER_S, step=TILE_E)
        def _(t):
            base = base_s + t
            pltpu.sync_copy(src_hbm.at[pl.ds(base, TILE_E)], src_v)
            pltpu.sync_copy(dst_hbm.at[pl.ds(base, TILE_E)], dst_v)
            pltpu.sync_copy(vals_hbm.at[pl.ds(base, TILE_E)], vals_v)

            @pl.loop(0, TILE_E, step=LANES)
            def _(i):
                sv = src_v[pl.ds(i, LANES)]
                gidx_v[pl.ds(i, LANES)] = sv * 2 + c

            pltpu.async_copy(x_hbm.at[gidx_v], rows_v, sem).wait()

            @pl.loop(0, TILE_E // LANES)
            def _(g):
                vv = vals_v[pl.ds(g * LANES, LANES)]
                for r in range(LANES):
                    row = g * LANES + r
                    sp = jnp.broadcast_to(vv[r], (LANES,))
                    for j in range(0, DH, LANES):
                        rows_v[row, pl.ds(j, LANES)] = (
                            rows_v[row, pl.ds(j, LANES)] * sp)

            pltpu.sync_copy(rows_v, acc.at[dst_v], add=True)

        plsc.subcore_barrier()

        pltpu.sync_copy(
            acc.at[pl.ds(s * ROWS_PER_S, ROWS_PER_S)],
            out_hbm.at[c, pl.ds(s * ROWS_PER_S, ROWS_PER_S)])

    return agg_kernel(x2, src, dst, vals)


_MM_BLK = 2000


def _mm_body(p_ref, w_ref, b_ref, o_ref):
    o_ref[...] = (
        lax.dot_general(
            p_ref[0], w_ref[0:DH, :], (((1,), (0,)), ((), ())),
            preferred_element_type=jnp.float32,
            precision=lax.Precision.HIGHEST)
        + lax.dot_general(
            p_ref[1], w_ref[DH:D, :], (((1,), (0,)), ((), ())),
            preferred_element_type=jnp.float32,
            precision=lax.Precision.HIGHEST)
        + b_ref[...])


def _tc_matmul(parts, W, b2d):
    return pl.pallas_call(
        _mm_body,
        grid=(N // _MM_BLK,),
        in_specs=[
            pl.BlockSpec((NC, _MM_BLK, DH), lambda i: (0, i, 0)),
            pl.BlockSpec((D, D), lambda i: (0, 0)),
            pl.BlockSpec((1, D), lambda i: (0, 0)),
        ],
        out_specs=pl.BlockSpec((_MM_BLK, D), lambda i: (i, 0)),
        out_shape=jax.ShapeDtypeStruct((N, D), jnp.float32),
    )(parts, W, b2d)


def kernel(x, edge_index, edge_vals, W, b):
    src = edge_index[0]
    dst = edge_index[1]
    x2 = x.reshape(2 * N, DH)
    parts = _sc_aggregate(x2, src, dst, edge_vals)
    return _tc_matmul(parts, W, b.reshape(1, D))

# --- scband reference (transcript-rebuilt; emitter-appended) ---
"""Pipeline reference for scband-graph-convolution-33749853012160 (READ-ONLY COPY).

The authoritative reference and input builder live on the scoring server;
editing this copy changes nothing except your own understanding.
"""

import jax, jax.numpy as jnp
import numpy as np

N = 10000
E = 320000
D_IN = 128
D_OUT = 128


def setup_inputs(seed: int = 0) -> dict:
    key = jax.random.key(seed)
    k1, k2, k3, k4, k5 = jax.random.split(key, 5)
    x = jax.random.normal(k1, (N, D_IN), dtype=jnp.float32)
    edge_index = jax.random.randint(k2, (2, E), 0, N, dtype=jnp.int32)
    # values of the symmetric-normalized sparse adjacency (positive, ~1/deg scale)
    edge_vals = jax.random.uniform(k3, (E,), dtype=jnp.float32) * (1.0 / 32.0)
    stdv = 1.0 / np.sqrt(D_OUT)
    W = jax.random.uniform(k4, (D_IN, D_OUT), dtype=jnp.float32, minval=-stdv, maxval=stdv)
    b = jax.random.uniform(k5, (D_OUT,), dtype=jnp.float32, minval=-stdv, maxval=stdv)
    return {"x": x, "edge_index": edge_index, "edge_vals": edge_vals, "W": W, "b": b}


def reference(x, edge_index, edge_vals, W, b):
    # support = x @ W
    support = x @ W
    # out = sparse.mm(adj, support): gather rows by src, scale by edge value, scatter-add to dst
    src = edge_index[0]
    dst = edge_index[1]
    msgs = support[src] * edge_vals[:, None]
    out = jax.ops.segment_sum(msgs, dst, num_segments=N)
    out = out + b
    return out

if __name__ == "__main__":
    import jax
    _d = setup_inputs()
    print(jax.jit(kernel)(*tuple(_d.values())))

</pallas_src>

<mosaic_0001>
#map = affine_map<(d0, d1) -> (0, 0)>
#map1 = affine_map<(d0, d1) -> (0)>
#map2 = affine_map<(d0, d1) -> (0, 0, 0)>
module attributes {stable_mosaic.version = 14 : i64} {
  func.func @agg_kernel(%arg0: i32, %arg1: i32, %arg2: memref<20000x64xf32, #tpu.memory_space<hbm>>, %arg3: memref<320000xi32, #tpu.memory_space<hbm>>, %arg4: memref<320000xi32, #tpu.memory_space<hbm>>, %arg5: memref<320000xf32, #tpu.memory_space<hbm>>, %arg6: memref<2x10112x64xf32, #tpu.memory_space<hbm>>, %arg7: memref<632x64xf32, #tpu.memory_space<vmem>>, %arg8: memref<80xi32, #tpu.memory_space<vmem>>, %arg9: memref<80xi32, #tpu.memory_space<vmem>>, %arg10: memref<80xi32, #tpu.memory_space<vmem>>, %arg11: memref<80xf32, #tpu.memory_space<vmem>>, %arg12: memref<80x64xf32, #tpu.memory_space<vmem>>, %arg13: memref<10112x64xf32, #tpu.memory_space<vmem_shared>>, %arg14: memref<!tpu.dma_semaphore, #tpu.memory_space<semaphore_mem>>) attributes {dimension_semantics = [#tpu.dimension_semantics<core_parallel>, #tpu.dimension_semantics<subcore_parallel>], iteration_bounds = array<i64: 2, 16>, scalar_prefetch = 0 : i64, scratch_operands = 8 : i64, tpu.core_type = #tpu.core_type<sc_vector_subcore>, window_params = [{transform_indices = #map}, {transform_indices = #map1}, {transform_indices = #map1}, {transform_indices = #map1}, {transform_indices = #map2}]} {
    %scan3A = arith.constant 0 : i32
    %scan3A_0 = arith.constant 632 : i32
    %scan3A_1 = arith.addi %scan3A, %scan3A_0 : i32
    %scan3A_2 = arith.constant 1 : i32
    scf.for %scan3A_17 = %scan3A to %scan3A_1 step %scan3A_2  : i32 {
      %mul3A_18 = arith.constant 1 : i32
      %mul3A_19 = arith.muli %scan3A_17, %mul3A_18 : i32
      %add3A = arith.constant 0 : i32
      %add3A_20 = arith.addi %add3A, %mul3A_19 : i32
      %scan3A_21 = arith.constant 0 : i32
      %scan3A_22 = arith.constant 4 : i32
      %scan3A_23 = arith.addi %scan3A_21, %scan3A_22 : i32
      %scan3A_24 = arith.constant 1 : i32
      scf.for %scan3A_26 = %scan3A_21 to %scan3A_23 step %scan3A_24  : i32 {
        %mul3A_27 = arith.constant 16 : i32
        %mul3A_28 = arith.muli %scan3A_26, %mul3A_27 : i32
        %add3A_29 = arith.constant 0 : i32
        %add3A_30 = arith.addi %add3A_29, %mul3A_28 : i32
        %broadcast_in_dim3A = arith.constant 0.000000e+00 : f32
        %broadcast_in_dim3A_31 = vector.broadcast %broadcast_in_dim3A : f32 to vector<16xf32>
        %swap3A = arith.index_cast %add3A_20 : i32 to index
        %swap3A_32 = arith.index_cast %add3A_30 : i32 to index
        %swap3A_33 = tpu.vector_load %arg7[%swap3A, %swap3A_32] {strides = array<i32>} : memref<632x64xf32, #tpu.memory_space<vmem>>, vector<1x16xf32>,
        %swap3A_34 = vector.shape_cast %swap3A_33 : vector<1x16xf32> to vector<16xf32>
        %swap3A_35 = vector.shape_cast %broadcast_in_dim3A_31 : vector<16xf32> to vector<1x16xf32>
        tpu.vector_store %arg7[%swap3A, %swap3A_32], %swap3A_35 {strides = array<i32>} : memref<632x64xf32, #tpu.memory_space<vmem>>, vector<1x16xf32>,
      }
      %scan3A_25 = arith.constant 4 : i32
    }
    %scan3A_3 = arith.constant 632 : i32
    %mul3A = arith.constant 632 : i32
    %mul3A_4 = arith.muli %arg1, %mul3A : i32
    "tpu.region"() ({
      %run_scoped3A = tpu.sem_alloc : memref<!tpu.dma_semaphore, #tpu.memory_space<semaphore_mem>>
      %dma_start3A = arith.constant 0 : i32
      %dma_start3A_17 = tpu.memref_slice %arg13[%mul3A_4, %dma_start3A] : memref<10112x64xf32, #tpu.memory_space<vmem_shared>> -> memref<632x64xf32, #tpu.memory_space<vmem_shared>>
      %dma_start3A_18 = arith.constant 0 : i32
      %dma_start3A_19 = tpu.memref_slice %arg13[%mul3A_4, %dma_start3A_18] : memref<10112x64xf32, #tpu.memory_space<vmem_shared>> -> memref<632x64xf32, #tpu.memory_space<vmem_shared>>
      tpu.enqueue_dma source(%arg7 : memref<632x64xf32, #tpu.memory_space<vmem>>) target(%dma_start3A_19 : memref<632x64xf32, #tpu.memory_space<vmem_shared>>) target_semaphore(%run_scoped3A : memref<!tpu.dma_semaphore, #tpu.memory_space<semaphore_mem>>)
      %dma_wait3A = arith.constant 0 : i32
      %dma_wait3A_20 = tpu.memref_slice %arg13[%mul3A_4, %dma_wait3A] : memref<10112x64xf32, #tpu.memory_space<vmem_shared>> -> memref<632x64xf32, #tpu.memory_space<vmem_shared>>
      %dma_wait3A_21 = arith.constant 0 : i32
      %dma_wait3A_22 = tpu.memref_slice %arg13[%mul3A_4, %dma_wait3A_21] : memref<10112x64xf32, #tpu.memory_space<vmem_shared>> -> memref<632x64xf32, #tpu.memory_space<vmem_shared>>
      tpu.wait_dma2 semaphore(%run_scoped3A : memref<!tpu.dma_semaphore, #tpu.memory_space<semaphore_mem>>) src(%arg7 : memref<632x64xf32, #tpu.memory_space<vmem>>) dst(%dma_wait3A_22 : memref<632x64xf32, #tpu.memory_space<vmem_shared>>)
      tpu.yield
    }) : () -> ()
    %barrier3A = arith.constant 0 : index
    tpu.barrier barrier_id(%barrier3A)
    %mul3A_5 = arith.constant 20000 : i32
    %mul3A_6 = arith.muli %arg1, %mul3A_5 : i32
    %scan3A_7 = arith.constant 0 : i32
    %scan3A_8 = arith.constant 250 : i32
    %scan3A_9 = arith.addi %scan3A_7, %scan3A_8 : i32
    %scan3A_10 = arith.constant 1 : i32
    scf.for %scan3A_17 = %scan3A_7 to %scan3A_9 step %scan3A_10  : i32 {
      %mul3A_18 = arith.constant 80 : i32
      %mul3A_19 = arith.muli %scan3A_17, %mul3A_18 : i32
      %add3A = arith.constant 0 : i32
      %add3A_20 = arith.addi %add3A, %mul3A_19 : i32
      %add3A_21 = arith.addi %mul3A_6, %add3A_20 : i32
      "tpu.region"() ({
        %run_scoped3A = tpu.sem_alloc : memref<!tpu.dma_semaphore, #tpu.memory_space<semaphore_mem>>
        %dma_start3A_36 = tpu.memref_slice %arg3[%add3A_21] : memref<320000xi32, #tpu.memory_space<hbm>> -> memref<80xi32, #tpu.memory_space<hbm>>
        %dma_start3A_37 = tpu.memref_slice %arg3[%add3A_21] : memref<320000xi32, #tpu.memory_space<hbm>> -> memref<80xi32, #tpu.memory_space<hbm>>
        tpu.enqueue_dma source(%dma_start3A_37 : memref<80xi32, #tpu.memory_space<hbm>>) target(%arg8 : memref<80xi32, #tpu.memory_space<vmem>>) target_semaphore(%run_scoped3A : memref<!tpu.dma_semaphore, #tpu.memory_space<semaphore_mem>>)
        %dma_wait3A_38 = tpu.memref_slice %arg3[%add3A_21] : memref<320000xi32, #tpu.memory_space<hbm>> -> memref<80xi32, #tpu.memory_space<hbm>>
        %dma_wait3A_39 = tpu.memref_slice %arg3[%add3A_21] : memref<320000xi32, #tpu.memory_space<hbm>> -> memref<80xi32, #tpu.memory_space<hbm>>
        tpu.wait_dma2 semaphore(%run_scoped3A : memref<!tpu.dma_semaphore, #tpu.memory_space<semaphore_mem>>) src(%dma_wait3A_39 : memref<80xi32, #tpu.memory_space<hbm>>) dst(%arg8 : memref<80xi32, #tpu.memory_space<vmem>>)
        tpu.yield
      }) : () -> ()
      "tpu.region"() ({
        %run_scoped3A = tpu.sem_alloc : memref<!tpu.dma_semaphore, #tpu.memory_space<semaphore_mem>>
        %dma_start3A_36 = tpu.memref_slice %arg4[%add3A_21] : memref<320000xi32, #tpu.memory_space<hbm>> -> memref<80xi32, #tpu.memory_space<hbm>>
        %dma_start3A_37 = tpu.memref_slice %arg4[%add3A_21] : memref<320000xi32, #tpu.memory_space<hbm>> -> memref<80xi32, #tpu.memory_space<hbm>>
        tpu.enqueue_dma source(%dma_start3A_37 : memref<80xi32, #tpu.memory_space<hbm>>) target(%arg10 : memref<80xi32, #tpu.memory_space<vmem>>) target_semaphore(%run_scoped3A : memref<!tpu.dma_semaphore, #tpu.memory_space<semaphore_mem>>)
        %dma_wait3A_38 = tpu.memref_slice %arg4[%add3A_21] : memref<320000xi32, #tpu.memory_space<hbm>> -> memref<80xi32, #tpu.memory_space<hbm>>
        %dma_wait3A_39 = tpu.memref_slice %arg4[%add3A_21] : memref<320000xi32, #tpu.memory_space<hbm>> -> memref<80xi32, #tpu.memory_space<hbm>>
        tpu.wait_dma2 semaphore(%run_scoped3A : memref<!tpu.dma_semaphore, #tpu.memory_space<semaphore_mem>>) src(%dma_wait3A_39 : memref<80xi32, #tpu.memory_space<hbm>>) dst(%arg10 : memref<80xi32, #tpu.memory_space<vmem>>)
        tpu.yield
      }) : () -> ()
      "tpu.region"() ({
        %run_scoped3A = tpu.sem_alloc : memref<!tpu.dma_semaphore, #tpu.memory_space<semaphore_mem>>
        %dma_start3A_36 = tpu.memref_slice %arg5[%add3A_21] : memref<320000xf32, #tpu.memory_space<hbm>> -> memref<80xf32, #tpu.memory_space<hbm>>
        %dma_start3A_37 = tpu.memref_slice %arg5[%add3A_21] : memref<320000xf32, #tpu.memory_space<hbm>> -> memref<80xf32, #tpu.memory_space<hbm>>
        tpu.enqueue_dma source(%dma_start3A_37 : memref<80xf32, #tpu.memory_space<hbm>>) target(%arg11 : memref<80xf32, #tpu.memory_space<vmem>>) target_semaphore(%run_scoped3A : memref<!tpu.dma_semaphore, #tpu.memory_space<semaphore_mem>>)
        %dma_wait3A_38 = tpu.memref_slice %arg5[%add3A_21] : memref<320000xf32, #tpu.memory_space<hbm>> -> memref<80xf32, #tpu.memory_space<hbm>>
        %dma_wait3A_39 = tpu.memref_slice %arg5[%add3A_21] : memref<320000xf32, #tpu.memory_space<hbm>> -> memref<80xf32, #tpu.memory_space<hbm>>
        tpu.wait_dma2 semaphore(%run_scoped3A : memref<!tpu.dma_semaphore, #tpu.memory_space<semaphore_mem>>) src(%dma_wait3A_39 : memref<80xf32, #tpu.memory_space<hbm>>) dst(%arg11 : memref<80xf32, #tpu.memory_space<vmem>>)
        tpu.yield
      }) : () -> ()
      %scan3A_22 = arith.constant 0 : i32
      %scan3A_23 = arith.constant 5 : i32
      %scan3A_24 = arith.addi %scan3A_22, %scan3A_23 : i32
      %scan3A_25 = arith.constant 1 : i32
      scf.for %scan3A_36 = %scan3A_22 to %scan3A_24 step %scan3A_25  : i32 {
        %mul3A_37 = arith.constant 16 : i32
        %mul3A_38 = arith.muli %scan3A_36, %mul3A_37 : i32
        %add3A_39 = arith.constant 0 : i32
        %add3A_40 = arith.addi %add3A_39, %mul3A_38 : i32
        %get3A = arith.index_cast %add3A_40 : i32 to index
        %get3A_41 = tpu.vector_load %arg8[%get3A] {strides = array<i32>} : memref<80xi32, #tpu.memory_space<vmem>>, vector<16xi32>,
        %get3A_42 = vector.shape_cast %get3A_41 : vector<16xi32> to vector<16xi32>
        %mul3A_43 = arith.constant 2 : i32
        %mul3A_44 = vector.broadcast %mul3A_43 : i32 to vector<16xi32>
        %mul3A_45 = arith.muli %get3A_42, %mul3A_44 : vector<16xi32>
        %add3A_46 = vector.broadcast %arg0 : i32 to vector<16xi32>
        %add3A_47 = arith.addi %mul3A_45, %add3A_46 : vector<16xi32>
        %swap3A = arith.index_cast %add3A_40 : i32 to index
        %swap3A_48 = tpu.vector_load %arg9[%swap3A] {strides = array<i32>} : memref<80xi32, #tpu.memory_space<vmem>>, vector<16xi32>,
        %swap3A_49 = vector.shape_cast %swap3A_48 : vector<16xi32> to vector<16xi32>
        %swap3A_50 = vector.shape_cast %add3A_47 : vector<16xi32> to vector<16xi32>
        tpu.vector_store %arg9[%swap3A], %swap3A_50 {strides = array<i32>} : memref<80xi32, #tpu.memory_space<vmem>>, vector<16xi32>,
      }
      %scan3A_26 = arith.constant 5 : i32
      %dma_start3A = arith.constant 0 : i32
      %dma_start3A_27 = arith.constant 0 : i32
      %dma_start3A_28 = tpu.memref_slice %arg2[%dma_start3A, %dma_start3A_27] : memref<20000x64xf32, #tpu.memory_space<hbm>> -> memref<20000x64xf32, #tpu.memory_space<hbm>>
      tpu.enqueue_indirect_dma source(%dma_start3A_28 : memref<20000x64xf32, #tpu.memory_space<hbm>>) target(%arg12 : memref<80x64xf32, #tpu.memory_space<vmem>>) offsets(%arg9 : memref<80xi32, #tpu.memory_space<vmem>>) semaphore(%arg14 : memref<!tpu.dma_semaphore, #tpu.memory_space<semaphore_mem>>)
      %dma_wait3A = arith.constant 0 : i32
      %dma_wait3A_29 = arith.constant 0 : i32
      %dma_wait3A_30 = tpu.memref_slice %arg2[%dma_wait3A, %dma_wait3A_29] : memref<20000x64xf32, #tpu.memory_space<hbm>> -> memref<20000x64xf32, #tpu.memory_space<hbm>>
      tpu.wait_indirect_dma semaphore(%arg14 : memref<!tpu.dma_semaphore, #tpu.memory_space<semaphore_mem>>) src(%dma_wait3A_30 : memref<20000x64xf32, #tpu.memory_space<hbm>>) dst(%arg12 : memref<80x64xf32, #tpu.memory_space<vmem>>)
      %scan3A_31 = arith.constant 0 : i32
      %scan3A_32 = arith.constant 5 : i32
      %scan3A_33 = arith.addi %scan3A_31, %scan3A_32 : i32
      %scan3A_34 = arith.constant 1 : i32
      scf.for %scan3A_36 = %scan3A_31 to %scan3A_33 step %scan3A_34  : i32 {
        %mul3A_37 = arith.constant 1 : i32
        %mul3A_38 = arith.muli %scan3A_36, %mul3A_37 : i32
        %add3A_39 = arith.constant 0 : i32
        %add3A_40 = arith.addi %add3A_39, %mul3A_38 : i32
        %mul3A_41 = arith.constant 16 : i32
        %mul3A_42 = arith.muli %add3A_40, %mul3A_41 : i32
        %get3A = arith.index_cast %mul3A_42 : i32 to index
        %get3A_43 = tpu.vector_load %arg11[%get3A] {strides = array<i32>} : memref<80xf32, #tpu.memory_space<vmem>>, vector<16xf32>,
        %get3A_44 = vector.shape_cast %get3A_43 : vector<16xf32> to vector<16xf32>
        %mul3A_45 = arith.constant 16 : i32
        %mul3A_46 = arith.muli %add3A_40, %mul3A_45 : i32
        %add3A_47 = arith.constant 0 : i32
        %add3A_48 = arith.addi %mul3A_46, %add3A_47 : i32
        %slice3A = vector.extract_strided_slice %get3A_44 {offsets = [0], sizes = [1], strides = [1]} : vector<16xf32> to vector<1xf32>
        %squeeze3A = vector.extract %slice3A[0] : f32 from vector<1xf32>
        %broadcast_in_dim3A = vector.broadcast %squeeze3A : f32 to vector<16xf32>
        %get3A_49 = arith.index_cast %add3A_48 : i32 to index
        %get3A_50 = arith.constant 0 : index
        %get3A_51 = tpu.vector_load %arg12[%get3A_49, %get3A_50] {strides = array<i32>} : memref<80x64xf32, #tpu.memory_space<vmem>>, vector<1x16xf32>,
        %get3A_52 = vector.shape_cast %get3A_51 : vector<1x16xf32> to vector<16xf32>
        %mul3A_53 = arith.mulf %get3A_52, %broadcast_in_dim3A : vector<16xf32>
        %swap3A = arith.index_cast %add3A_48 : i32 to index
        %swap3A_54 = arith.constant 0 : index
        %swap3A_55 = tpu.vector_load %arg12[%swap3A, %swap3A_54] {strides = array<i32>} : memref<80x64xf32, #tpu.memory_space<vmem>>, vector<1x16xf32>,
        %swap3A_56 = vector.shape_cast %swap3A_55 : vector<1x16xf32> to vector<16xf32>
        %swap3A_57 = vector.shape_cast %mul3A_53 : vector<16xf32> to vector<1x16xf32>
        tpu.vector_store %arg12[%swap3A, %swap3A_54], %swap3A_57 {strides = array<i32>} : memref<80x64xf32, #tpu.memory_space<vmem>>, vector<1x16xf32>,
        %get3A_58 = arith.index_cast %add3A_48 : i32 to index
        %get3A_59 = arith.constant 16 : index
        %get3A_60 = tpu.vector_load %arg12[%get3A_58, %get3A_59] {strides = array<i32>} : memref<80x64xf32, #tpu.memory_space<vmem>>, vector<1x16xf32>,
        %get3A_61 = vector.shape_cast %get3A_60 : vector<1x16xf32> to vector<16xf32>
        %mul3A_62 = arith.mulf %get3A_61, %broadcast_in_dim3A : vector<16xf32>
        %swap3A_63 = arith.index_cast %add3A_48 : i32 to index
        %swap3A_64 = arith.constant 16 : index
        %swap3A_65 = tpu.vector_load %arg12[%swap3A_63, %swap3A_64] {strides = array<i32>} : memref<80x64xf32, #tpu.memory_space<vmem>>, vector<1x16xf32>,
        %swap3A_66 = vector.shape_cast %swap3A_65 : vector<1x16xf32> to vector<16xf32>
        %swap3A_67 = vector.shape_cast %mul3A_62 : vector<16xf32> to vector<1x16xf32>
        tpu.vector_store %arg12[%swap3A_63, %swap3A_64], %swap3A_67 {strides = array<i32>} : memref<80x64xf32, #tpu.memory_space<vmem>>, vector<1x16xf32>,
        %get3A_68 = arith.index_cast %add3A_48 : i32 to index
        %get3A_69 = arith.constant 32 : index
        %get3A_70 = tpu.vector_load %arg12[%get3A_68, %get3A_69] {strides = array<i32>} : memref<80x64xf32, #tpu.memory_space<vmem>>, vector<1x16xf32>,
        %get3A_71 = vector.shape_cast %get3A_70 : vector<1x16xf32> to vector<16xf32>
        %mul3A_72 = arith.mulf %get3A_71, %broadcast_in_dim3A : vector<16xf32>
        %swap3A_73 = arith.index_cast %add3A_48 : i32 to index
        %swap3A_74 = arith.constant 32 : index
        %swap3A_75 = tpu.vector_load %arg12[%swap3A_73, %swap3A_74] {strides = array<i32>} : memref<80x64xf32, #tpu.memory_space<vmem>>, vector<1x16xf32>,
        %swap3A_76 = vector.shape_cast %swap3A_75 : vector<1x16xf32> to vector<16xf32>
        %swap3A_77 = vector.shape_cast %mul3A_72 : vector<16xf32> to vector<1x16xf32>
        tpu.vector_store %arg12[%swap3A_73, %swap3A_74], %swap3A_77 {strides = array<i32>} : memref<80x64xf32, #tpu.memory_space<vmem>>, vector<1x16xf32>,
        %get3A_78 = arith.index_cast %add3A_48 : i32 to index
        %get3A_79 = arith.constant 48 : index
        %get3A_80 = tpu.vector_load %arg12[%get3A_78, %get3A_79] {strides = array<i32>} : memref<80x64xf32, #tpu.memory_space<vmem>>, vector<1x16xf32>,
        %get3A_81 = vector.shape_cast %get3A_80 : vector<1x16xf32> to vector<16xf32>
        %mul3A_82 = arith.mulf %get3A_81, %broadcast_in_dim3A : vector<16xf32>
        %swap3A_83 = arith.index_cast %add3A_48 : i32 to index
        %swap3A_84 = arith.constant 48 : index
        %swap3A_85 = tpu.vector_load %arg12[%swap3A_83, %swap3A_84] {strides = array<i32>} : memref<80x64xf32, #tpu.memory_space<vmem>>, vector<1x16xf32>,
        %swap3A_86 = vector.shape_cast %swap3A_85 : vector<1x16xf32> to vector<16xf32>
        %swap3A_87 = vector.shape_cast %mul3A_82 : vector<16xf32> to vector<1x16xf32>
        tpu.vector_store %arg12[%swap3A_83, %swap3A_84], %swap3A_87 {strides = array<i32>} : memref<80x64xf32, #tpu.memory_space<vmem>>, vector<1x16xf32>,
        %mul3A_88 = arith.constant 16 : i32
        %mul3A_89 = arith.muli %add3A_40, %mul3A_88 : i32
        %add3A_90 = arith.constant 1 : i32
        %add3A_91 = arith.addi %mul3A_89, %add3A_90 : i32
        %slice3A_92 = vector.extract_strided_slice %get3A_44 {offsets = [1], sizes = [1], strides = [1]} : vector<16xf32> to vector<1xf32>
        %squeeze3A_93 = vector.extract %slice3A_92[0] : f32 from vector<1xf32>
        %broadcast_in_dim3A_94 = vector.broadcast %squeeze3A_93 : f32 to vector<16xf32>
        %get3A_95 = arith.index_cast %add3A_91 : i32 to index
        %get3A_96 = arith.constant 0 : index
        %get3A_97 = tpu.vector_load %arg12[%get3A_95, %get3A_96] {strides = array<i32>} : memref<80x64xf32, #tpu.memory_space<vmem>>, vector<1x16xf32>,
        %get3A_98 = vector.shape_cast %get3A_97 : vector<1x16xf32> to vector<16xf32>
        %mul3A_99 = arith.mulf %get3A_98, %broadcast_in_dim3A_94 : vector<16xf32>
        %swap3A_100 = arith.index_cast %add3A_91 : i32 to index
        %swap3A_101 = arith.constant 0 : index
        %swap3A_102 = tpu.vector_load %arg12[%swap3A_100, %swap3A_101] {strides = array<i32>} : memref<80x64xf32, #tpu.memory_space<vmem>>, vector<1x16xf32>,
        %swap3A_103 = vector.shape_cast %swap3A_102 : vector<1x16xf32> to vector<16xf32>
        %swap3A_104 = vector.shape_cast %mul3A_99 : vector<16xf32> to vector<1x16xf32>
        tpu.vector_store %arg12[%swap3A_100, %swap3A_101], %swap3A_104 {strides = array<i32>} : memref<80x64xf32, #tpu.memory_space<vmem>>, vector<1x16xf32>,
        %get3A_105 = arith.index_cast %add3A_91 : i32 to index
        %get3A_106 = arith.constant 16 : index
        %get3A_107 = tpu.vector_load %arg12[%get3A_105, %get3A_106] {strides = array<i32>} : memref<80x64xf32, #tpu.memory_space<vmem>>, vector<1x16xf32>,
        %get3A_108 = vector.shape_cast %get3A_107 : vector<1x16xf32> to vector<16xf32>
        %mul3A_109 = arith.mulf %get3A_108, %broadcast_in_dim3A_94 : vector<16xf32>
        %swap3A_110 = arith.index_cast %add3A_91 : i32 to index
        %swap3A_111 = arith.constant 16 : index
        %swap3A_112 = tpu.vector_load %arg12[%swap3A_110, %swap3A_111] {strides = array<i32>} : memref<80x64xf32, #tpu.memory_space<vmem>>, vector<1x16xf32>,
        %swap3A_113 = vector.shape_cast %swap3A_112 : vector<1x16xf32> to vector<16xf32>
        %swap3A_114 = vector.shape_cast %mul3A_109 : vector<16xf32> to vector<1x16xf32>
        tpu.vector_store %arg12[%swap3A_110, %swap3A_111], %swap3A_114 {strides = array<i32>} : memref<80x64xf32, #tpu.memory_space<vmem>>, vector<1x16xf32>,
        %get3A_115 = arith.index_cast %add3A_91 : i32 to index
        %get3A_116 = arith.constant 32 : index
        %get3A_117 = tpu.vector_load %arg12[%get3A_115, %get3A_116] {strides = array<i32>} : memref<80x64xf32, #tpu.memory_space<vmem>>, vector<1x16xf32>,
        %get3A_118 = vector.shape_cast %get3A_117 : vector<1x16xf32> to vector<16xf32>
        %mul3A_119 = arith.mulf %get3A_118, %broadcast_in_dim3A_94 : vector<16xf32>
        %swap3A_120 = arith.index_cast %add3A_91 : i32 to index
        %swap3A_121 = arith.constant 32 : index
        %swap3A_122 = tpu.vector_load %arg12[%swap3A_120, %swap3A_121] {strides = array<i32>} : memref<80x64xf32, #tpu.memory_space<vmem>>, vector<1x16xf32>,
        %swap3A_123 = vector.shape_cast %swap3A_122 : vector<1x16xf32> to vector<16xf32>
        %swap3A_124 = vector.shape_cast %mul3A_119 : vector<16xf32> to vector<1x16xf32>
        tpu.vector_store %arg12[%swap3A_120, %swap3A_121], %swap3A_124 {strides = array<i32>} : memref<80x64xf32, #tpu.memory_space<vmem>>, vector<1x16xf32>,
        %get3A_125 = arith.index_cast %add3A_91 : i32 to index
        %get3A_126 = arith.constant 48 : index
        %get3A_127 = tpu.vector_load %arg12[%get3A_125, %get3A_126] {strides = array<i32>} : memref<80x64xf32, #tpu.memory_space<vmem>>, vector<1x16xf32>,
        %get3A_128 = vector.shape_cast %get3A_127 : vector<1x16xf32> to vector<16xf32>
        %mul3A_129 = arith.mulf %get3A_128, %broadcast_in_dim3A_94 : vector<16xf32>
        %swap3A_130 = arith.index_cast %add3A_91 : i32 to index
        %swap3A_131 = arith.constant 48 : index
        %swap3A_132 = tpu.vector_load %arg12[%swap3A_130, %swap3A_131] {strides = array<i32>} : memref<80x64xf32, #tpu.memory_space<vmem>>, vector<1x16xf32>,
        %swap3A_133 = vector.shape_cast %swap3A_132 : vector<1x16xf32> to vector<16xf32>
        %swap3A_134 = vector.shape_cast %mul3A_129 : vector<16xf32> to vector<1x16xf32>
        tpu.vector_store %arg12[%swap3A_130, %swap3A_131], %swap3A_134 {strides = array<i32>} : memref<80x64xf32, #tpu.memory_space<vmem>>, vector<1x16xf32>,
        %mul3A_135 = arith.constant 16 : i32
        %mul3A_136 = arith.muli %add3A_40, %mul3A_135 : i32
        %add3A_137 = arith.constant 2 : i32
        %add3A_138 = arith.addi %mul3A_136, %add3A_137 : i32
        %slice3A_139 = vector.extract_strided_slice %get3A_44 {offsets = [2], sizes = [1], strides = [1]} : vector<16xf32> to vector<1xf32>
        %squeeze3A_140 = vector.extract %slice3A_139[0] : f32 from vector<1xf32>
        %broadcast_in_dim3A_141 = vector.broadcast %squeeze3A_140 : f32 to vector<16xf32>
        %get3A_142 = arith.index_cast %add3A_138 : i32 to index
        %get3A_143 = arith.constant 0 : index
        %get3A_144 = tpu.vector_load %arg12[%get3A_142, %get3A_143] {strides = array<i32>} : memref<80x64xf32, #tpu.memory_space<vmem>>, vector<1x16xf32>,
        %get3A_145 = vector.shape_cast %get3A_144 : vector<1x16xf32> to vector<16xf32>
        %mul3A_146 = arith.mulf %get3A_145, %broadcast_in_dim3A_141 : vector<16xf32>
        %swap3A_147 = arith.index_cast %add3A_138 : i32 to index
        %swap3A_148 = arith.constant 0 : index
        %swap3A_149 = tpu.vector_load %arg12[%swap3A_147, %swap3A_148] {strides = array<i32>} : memref<80x64xf32, #tpu.memory_space<vmem>>, vector<1x16xf32>,
        %swap3A_150 = vector.shape_cast %swap3A_149 : vector<1x16xf32> to vector<16xf32>
        %swap3A_151 = vector.shape_cast %mul3A_146 : vector<16xf32> to vector<1x16xf32>
        tpu.vector_store %arg12[%swap3A_147, %swap3A_148], %swap3A_151 {strides = array<i32>} : memref<80x64xf32, #tpu.memory_space<vmem>>, vector<1x16xf32>,
        %get3A_152 = arith.index_cast %add3A_138 : i32 to index
        %get3A_153 = arith.constant 16 : index
        %get3A_154 = tpu.vector_load %arg12[%get3A_152, %get3A_153] {strides = array<i32>} : memref<80x64xf32, #tpu.memory_space<vmem>>, vector<1x16xf32>,
        %get3A_155 = vector.shape_cast %get3A_154 : vector<1x16xf32> to vector<16xf32>
        %mul3A_156 = arith.mulf %get3A_155, %broadcast_in_dim3A_141 : vector<16xf32>
        %swap3A_157 = arith.index_cast %add3A_138 : i32 to index
        %swap3A_158 = arith.constant 16 : index
        %swap3A_159 = tpu.vector_load %arg12[%swap3A_157, %swap3A_158] {strides = array<i32>} : memref<80x64xf32, #tpu.memory_space<vmem>>, vector<1x16xf32>,
        %swap3A_160 = vector.shape_cast %swap3A_159 : vector<1x16xf32> to vector<16xf32>
        %swap3A_161 = vector.shape_cast %mul3A_156 : vector<16xf32> to vector<1x16xf32>
        tpu.vector_store %arg12[%swap3A_157, %swap3A_158], %swap3A_161 {strides = array<i32>} : memref<80x64xf32, #tpu.memory_space<vmem>>, vector<1x16xf32>,
        %get3A_162 = arith.index_cast %add3A_138 : i32 to index
        %get3A_163 = arith.constant 32 : index
        %get3A_164 = tpu.vector_load %arg12[%get3A_162, %get3A_163] {strides = array<i32>} : memref<80x64xf32, #tpu.memory_space<vmem>>, vector<1x16xf32>,
        %get3A_165 = vector.shape_cast %get3A_164 : vector<1x16xf32> to vector<16xf32>
        %mul3A_166 = arith.mulf %get3A_165, %broadcast_in_dim3A_141 : vector<16xf32>
        %swap3A_167 = arith.index_cast %add3A_138 : i32 to index
        %swap3A_168 = arith.constant 32 : index
        %swap3A_169 = tpu.vector_load %arg12[%swap3A_167, %swap3A_168] {strides = array<i32>} : memref<80x64xf32, #tpu.memory_space<vmem>>, vector<1x16xf32>,
        %swap3A_170 = vector.shape_cast %swap3A_169 : vector<1x16xf32> to vector<16xf32>
        %swap3A_171 = vector.shape_cast %mul3A_166 : vector<16xf32> to vector<1x16xf32>
        tpu.vector_store %arg12[%swap3A_167, %swap3A_168], %swap3A_171 {strides = array<i32>} : memref<80x64xf32, #tpu.memory_space<vmem>>, vector<1x16xf32>,
        %get3A_172 = arith.index_cast %add3A_138 : i32 to index
        %get3A_173 = arith.constant 48 : index
        %get3A_174 = tpu.vector_load %arg12[%get3A_172, %get3A_173] {strides = array<i32>} : memref<80x64xf32, #tpu.memory_space<vmem>>, vector<1x16xf32>,
        %get3A_175 = vector.shape_cast %get3A_174 : vector<1x16xf32> to vector<16xf32>
        %mul3A_176 = arith.mulf %get3A_175, %broadcast_in_dim3A_141 : vector<16xf32>
        %swap3A_177 = arith.index_cast %add3A_138 : i32 to index
        %swap3A_178 = arith.constant 48 : index
        %swap3A_179 = tpu.vector_load %arg12[%swap3A_177, %swap3A_178] {strides = array<i32>} : memref<80x64xf32, #tpu.memory_space<vmem>>, vector<1x16xf32>,
        %swap3A_180 = vector.shape_cast %swap3A_179 : vector<1x16xf32> to vector<16xf32>
        %swap3A_181 = vector.shape_cast %mul3A_176 : vector<16xf32> to vector<1x16xf32>
        tpu.vector_store %arg12[%swap3A_177, %swap3A_178], %swap3A_181 {strides = array<i32>} : memref<80x64xf32, #tpu.memory_space<vmem>>, vector<1x16xf32>,
        %mul3A_182 = arith.constant 16 : i32
        %mul3A_183 = arith.muli %add3A_40, %mul3A_182 : i32
        %add3A_184 = arith.constant 3 : i32
        %add3A_185 = arith.addi %mul3A_183, %add3A_184 : i32
        %slice3A_186 = vector.extract_strided_slice %get3A_44 {offsets = [3], sizes = [1], strides = [1]} : vector<16xf32> to vector<1xf32>
        %squeeze3A_187 = vector.extract %slice3A_186[0] : f32 from vector<1xf32>
        %broadcast_in_dim3A_188 = vector.broadcast %squeeze3A_187 : f32 to vector<16xf32>
        %get3A_189 = arith.index_cast %add3A_185 : i32 to index
        %get3A_190 = arith.constant 0 : index
        %get3A_191 = tpu.vector_load %arg12[%get3A_189, %get3A_190] {strides = array<i32>} : memref<80x64xf32, #tpu.memory_space<vmem>>, vector<1x16xf32>,
        %get3A_192 = vector.shape_cast %get3A_191 : vector<1x16xf32> to vector<16xf32>
        %mul3A_193 = arith.mulf %get3A_192, %broadcast_in_dim3A_188 : vector<16xf32>
        %swap3A_194 = arith.index_cast %add3A_185 : i32 to index
        %swap3A_195 = arith.constant 0 : index
        %swap3A_196 = tpu.vector_load %arg12[%swap3A_194, %swap3A_195] {strides = array<i32>} : memref<80x64xf32, #tpu.memory_space<vmem>>, vector<1x16xf32>,
        %swap3A_197 = vector.shape_cast %swap3A_196 : vector<1x16xf32> to vector<16xf32>
        %swap3A_198 = vector.shape_cast %mul3A_193 : vector<16xf32> to vector<1x16xf32>
        tpu.vector_store %arg12[%swap3A_194, %swap3A_195], %swap3A_198 {strides = array<i32>} : memref<80x64xf32, #tpu.memory_space<vmem>>, vector<1x16xf32>,
        %get3A_199 = arith.index_cast %add3A_185 : i32 to index
        %get3A_200 = arith.constant 16 : index
        %get3A_201 = tpu.vector_load %arg12[%get3A_199, %get3A_200] {strides = array<i32>} : memref<80x64xf32, #tpu.memory_space<vmem>>, vector<1x16xf32>,
        %get3A_202 = vector.shape_cast %get3A_201 : vector<1x16xf32> to vector<16xf32>
        %mul3A_203 = arith.mulf %get3A_202, %broadcast_in_dim3A_188 : vector<16xf32>
        %swap3A_204 = arith.index_cast %add3A_185 : i32 to index
        %swap3A_205 = arith.constant 16 : index
        %swap3A_206 = tpu.vector_load %arg12[%swap3A_204, %swap3A_205] {strides = array<i32>} : memref<80x64xf32, #tpu.memory_space<vmem>>, vector<1x16xf32>,
        %swap3A_207 = vector.shape_cast %swap3A_206 : vector<1x16xf32> to vector<16xf32>
        %swap3A_208 = vector.shape_cast %mul3A_203 : vector<16xf32> to vector<1x16xf32>
        tpu.vector_store %arg12[%swap3A_204, %swap3A_205], %swap3A_208 {strides = array<i32>} : memref<80x64xf32, #tpu.memory_space<vmem>>, vector<1x16xf32>,
        %get3A_209 = arith.index_cast %add3A_185 : i32 to index
        %get3A_210 = arith.constant 32 : index
        %get3A_211 = tpu.vector_load %arg12[%get3A_209, %get3A_210] {strides = array<i32>} : memref<80x64xf32, #tpu.memory_space<vmem>>, vector<1x16xf32>,
        %get3A_212 = vector.shape_cast %get3A_211 : vector<1x16xf32> to vector<16xf32>
        %mul3A_213 = arith.mulf %get3A_212, %broadcast_in_dim3A_188 : vector<16xf32>
        %swap3A_214 = arith.index_cast %add3A_185 : i32 to index
        %swap3A_215 = arith.constant 32 : index
        %swap3A_216 = tpu.vector_load %arg12[%swap3A_214, %swap3A_215] {strides = array<i32>} : memref<80x64xf32, #tpu.memory_space<vmem>>, vector<1x16xf32>,
        %swap3A_217 = vector.shape_cast %swap3A_216 : vector<1x16xf32> to vector<16xf32>
        %swap3A_218 = vector.shape_cast %mul3A_213 : vector<16xf32> to vector<1x16xf32>
        tpu.vector_store %arg12[%swap3A_214, %swap3A_215], %swap3A_218 {strides = array<i32>} : memref<80x64xf32, #tpu.memory_space<vmem>>, vector<1x16xf32>,
        %get3A_219 = arith.index_cast %add3A_185 : i32 to index
        %get3A_220 = arith.constant 48 : index
        %get3A_221 = tpu.vector_load %arg12[%get3A_219, %get3A_220] {strides = array<i32>} : memref<80x64xf32, #tpu.memory_space<vmem>>, vector<1x16xf32>,
        %get3A_222 = vector.shape_cast %get3A_221 : vector<1x16xf32> to vector<16xf32>
        %mul3A_223 = arith.mulf %get3A_222, %broadcast_in_dim3A_188 : vector<16xf32>
        %swap3A_224 = arith.index_cast %add3A_185 : i32 to index
        %swap3A_225 = arith.constant 48 : index
        %swap3A_226 = tpu.vector_load %arg12[%swap3A_224, %swap3A_225] {strides = array<i32>} : memref<80x64xf32, #tpu.memory_space<vmem>>, vector<1x16xf32>,
        %swap3A_227 = vector.shape_cast %swap3A_226 : vector<1x16xf32> to vector<16xf32>
        %swap3A_228 = vector.shape_cast %mul3A_223 : vector<16xf32> to vector<1x16xf32>
        tpu.vector_store %arg12[%swap3A_224, %swap3A_225], %swap3A_228 {strides = array<i32>} : memref<80x64xf32, #tpu.memory_space<vmem>>, vector<1x16xf32>,
        %mul3A_229 = arith.constant 16 : i32
        %mul3A_230 = arith.muli %add3A_40, %mul3A_229 : i32
        %add3A_231 = arith.constant 4 : i32
        %add3A_232 = arith.addi %mul3A_230, %add3A_231 : i32
        %slice3A_233 = vector.extract_strided_slice %get3A_44 {offsets = [4], sizes = [1], strides = [1]} : vector<16xf32> to vector<1xf32>
        %squeeze3A_234 = vector.extract %slice3A_233[0] : f32 from vector<1xf32>
        %broadcast_in_dim3A_235 = vector.broadcast %squeeze3A_234 : f32 to vector<16xf32>
        %get3A_236 = arith.index_cast %add3A_232 : i32 to index
        %get3A_237 = arith.constant 0 : index
        %get3A_238 = tpu.vector_load %arg12[%get3A_236, %get3A_237] {strides = array<i32>} : memref<80x64xf32, #tpu.memory_space<vmem>>, vector<1x16xf32>,
        %get3A_239 = vector.shape_cast %get3A_238 : vector<1x16xf32> to vector<16xf32>
        %mul3A_240 = arith.mulf %get3A_239, %broadcast_in_dim3A_235 : vector<16xf32>
        %swap3A_241 = arith.index_cast %add3A_232 : i32 to index
        %swap3A_242 = arith.constant 0 : index
        %swap3A_243 = tpu.vector_load %arg12[%swap3A_241, %swap3A_242] {strides = array<i32>} : memref<80x64xf32, #tpu.memory_space<vmem>>, vector<1x16xf32>,
        %swap3A_244 = vector.shape_cast %swap3A_243 : vector<1x16xf32> to vector<16xf32>
        %swap3A_245 = vector.shape_cast %mul3A_240 : vector<16xf32> to vector<1x16xf32>
        tpu.vector_store %arg12[%swap3A_241, %swap3A_242], %swap3A_245 {strides = array<i32>} : memref<80x64xf32, #tpu.memory_space<vmem>>, vector<1x16xf32>,
        %get3A_246 = arith.index_cast %add3A_232 : i32 to index
        %get3A_247 = arith.constant 16 : index
        %get3A_248 = tpu.vector_load %arg12[%get3A_246, %get3A_247] {strides = array<i32>} : memref<80x64xf32, #tpu.memory_space<vmem>>, vector<1x16xf32>,
        %get3A_249 = vector.shape_cast %get3A_248 : vector<1x16xf32> to vector<16xf32>
        %mul3A_250 = arith.mulf %get3A_249, %broadcast_in_dim3A_235 : vector<16xf32>
        %swap3A_251 = arith.index_cast %add3A_232 : i32 to index
        %swap3A_252 = arith.constant 16 : index
        %swap3A_253 = tpu.vector_load %arg12[%swap3A_251, %swap3A_252] {strides = array<i32>} : memref<80x64xf32, #tpu.memory_space<vmem>>, vector<1x16xf32>,
        %swap3A_254 = vector.shape_cast %swap3A_253 : vector<1x16xf32> to vector<16xf32>
        %swap3A_255 = vector.shape_cast %mul3A_250 : vector<16xf32> to vector<1x16xf32>
        tpu.vector_store %arg12[%swap3A_251, %swap3A_252], %swap3A_255 {strides = array<i32>} : memref<80x64xf32, #tpu.memory_space<vmem>>, vector<1x16xf32>,
        %get3A_256 = arith.index_cast %add3A_232 : i32 to index
        %get3A_257 = arith.constant 32 : index
        %get3A_258 = tpu.vector_load %arg12[%get3A_256, %get3A_257] {strides = array<i32>} : memref<80x64xf32, #tpu.memory_space<vmem>>, vector<1x16xf32>,
        %get3A_259 = vector.shape_cast %get3A_258 : vector<1x16xf32> to vector<16xf32>
        %mul3A_260 = arith.mulf %get3A_259, %broadcast_in_dim3A_235 : vector<16xf32>
        %swap3A_261 = arith.index_cast %add3A_232 : i32 to index
        %swap3A_262 = arith.constant 32 : index
        %swap3A_263 = tpu.vector_load %arg12[%swap3A_261, %swap3A_262] {strides = array<i32>} : memref<80x64xf32, #tpu.memory_space<vmem>>, vector<1x16xf32>,
        %swap3A_264 = vector.shape_cast %swap3A_263 : vector<1x16xf32> to vector<16xf32>
        %swap3A_265 = vector.shape_cast %mul3A_260 : vector<16xf32> to vector<1x16xf32>
        tpu.vector_store %arg12[%swap3A_261, %swap3A_262], %swap3A_265 {strides = array<i32>} : memref<80x64xf32, #tpu.memory_space<vmem>>, vector<1x16xf32>,
        %get3A_266 = arith.index_cast %add3A_232 : i32 to index
        %get3A_267 = arith.constant 48 : index
        %get3A_268 = tpu.vector_load %arg12[%get3A_266, %get3A_267] {strides = array<i32>} : memref<80x64xf32, #tpu.memory_space<vmem>>, vector<1x16xf32>,
        %get3A_269 = vector.shape_cast %get3A_268 : vector<1x16xf32> to vector<16xf32>
        %mul3A_270 = arith.mulf %get3A_269, %broadcast_in_dim3A_235 : vector<16xf32>
        %swap3A_271 = arith.index_cast %add3A_232 : i32 to index
        %swap3A_272 = arith.constant 48 : index
        %swap3A_273 = tpu.vector_load %arg12[%swap3A_271, %swap3A_272] {strides = array<i32>} : memref<80x64xf32, #tpu.memory_space<vmem>>, vector<1x16xf32>,
        %swap3A_274 = vector.shape_cast %swap3A_273 : vector<1x16xf32> to vector<16xf32>
        %swap3A_275 = vector.shape_cast %mul3A_270 : vector<16xf32> to vector<1x16xf32>
        tpu.vector_store %arg12[%swap3A_271, %swap3A_272], %swap3A_275 {strides = array<i32>} : memref<80x64xf32, #tpu.memory_space<vmem>>, vector<1x16xf32>,
        %mul3A_276 = arith.constant 16 : i32
        %mul3A_277 = arith.muli %add3A_40, %mul3A_276 : i32
        %add3A_278 = arith.constant 5 : i32
        %add3A_279 = arith.addi %mul3A_277, %add3A_278 : i32
        %slice3A_280 = vector.extract_strided_slice %get3A_44 {offsets = [5], sizes = [1], strides = [1]} : vector<16xf32> to vector<1xf32>
        %squeeze3A_281 = vector.extract %slice3A_280[0] : f32 from vector<1xf32>
        %broadcast_in_dim3A_282 = vector.broadcast %squeeze3A_281 : f32 to vector<16xf32>
        %get3A_283 = arith.index_cast %add3A_279 : i32 to index
        %get3A_284 = arith.constant 0 : index
        %get3A_285 = tpu.vector_load %arg12[%get3A_283, %get3A_284] {strides = array<i32>} : memref<80x64xf32, #tpu.memory_space<vmem>>, vector<1x16xf32>,
        %get3A_286 = vector.shape_cast %get3A_285 : vector<1x16xf32> to vector<16xf32>
        %mul3A_287 = arith.mulf %get3A_286, %broadcast_in_dim3A_282 : vector<16xf32>
        %swap3A_288 = arith.index_cast %add3A_279 : i32 to index
        %swap3A_289 = arith.constant 0 : index
        %swap3A_290 = tpu.vector_load %arg12[%swap3A_288, %swap3A_289] {strides = array<i32>} : memref<80x64xf32, #tpu.memory_space<vmem>>, vector<1x16xf32>,
        %swap3A_291 = vector.shape_cast %swap3A_290 : vector<1x16xf32> to vector<16xf32>
        %swap3A_292 = vector.shape_cast %mul3A_287 : vector<16xf32> to vector<1x16xf32>
        tpu.vector_store %arg12[%swap3A_288, %swap3A_289], %swap3A_292 {strides = array<i32>} : memref<80x64xf32, #tpu.memory_space<vmem>>, vector<1x16xf32>,
        %get3A_293 = arith.index_cast %add3A_279 : i32 to index
        %get3A_294 = arith.constant 16 : index
        %get3A_295 = tpu.vector_load %arg12[%get3A_293, %get3A_294] {strides = array<i32>} : memref<80x64xf32, #tpu.memory_space<vmem>>, vector<1x16xf32>,
        %get3A_296 = vector.shape_cast %get3A_295 : vector<1x16xf32> to vector<16xf32>
        %mul3A_297 = arith.mulf %get3A_296, %broadcast_in_dim3A_282 : vector<16xf32>
        %swap3A_298 = arith.index_cast %add3A_279 : i32 to index
        %swap3A_299 = arith.constant 16 : index
        %swap3A_300 = tpu.vector_load %arg12[%swap3A_298, %swap3A_299] {strides = array<i32>} : memref<80x64xf32, #tpu.memory_space<vmem>>, vector<1x16xf32>,
        %swap3A_301 = vector.shape_cast %swap3A_300 : vector<1x16xf32> to vector<16xf32>
        %swap3A_302 = vector.shape_cast %mul3A_297 : vector<16xf32> to vector<1x16xf32>
        tpu.vector_store %arg12[%swap3A_298, %swap3A_299], %swap3A_302 {strides = array<i32>} : memref<80x64xf32, #tpu.memory_space<vmem>>, vector<1x16xf32>,
        %get3A_303 = arith.index_cast %add3A_279 : i32 to index
        %get3A_304 = arith.constant 32 : index
        %get3A_305 = tpu.vector_load %arg12[%get3A_303, %get3A_304] {strides = array<i32>} : memref<80x64xf32, #tpu.memory_space<vmem>>, vector<1x16xf32>,
        %get3A_306 = vector.shape_cast %get3A_305 : vector<1x16xf32> to vector<16xf32>
        %mul3A_307 = arith.mulf %get3A_306, %broadcast_in_dim3A_282 : vector<16xf32>
        %swap3A_308 = arith.index_cast %add3A_279 : i32 to index
        %swap3A_309 = arith.constant 32 : index
        %swap3A_310 = tpu.vector_load %arg12[%swap3A_308, %swap3A_309] {strides = array<i32>} : memref<80x64xf32, #tpu.memory_space<vmem>>, vector<1x16xf32>,
        %swap3A_311 = vector.shape_cast %swap3A_310 : vector<1x16xf32> to vector<16xf32>
        %swap3A_312 = vector.shape_cast %mul3A_307 : vector<16xf32> to vector<1x16xf32>
        tpu.vector_store %arg12[%swap3A_308, %swap3A_309], %swap3A_312 {strides = array<i32>} : memref<80x64xf32, #tpu.memory_space<vmem>>, vector<1x16xf32>,
        %get3A_313 = arith.index_cast %add3A_279 : i32 to index
        %get3A_314 = arith.constant 48 : index
        %get3A_315 = tpu.vector_load %arg12[%get3A_313, %get3A_314] {strides = array<i32>} : memref<80x64xf32, #tpu.memory_space<vmem>>, vector<1x16xf32>,
        %get3A_316 = vector.shape_cast %get3A_315 : vector<1x16xf32> to vector<16xf32>
        %mul3A_317 = arith.mulf %get3A_316, %broadcast_in_dim3A_282 : vector<16xf32>
        %swap3A_318 = arith.index_cast %add3A_279 : i32 to index
        %swap3A_319 = arith.constant 48 : index
        %swap3A_320 = tpu.vector_load %arg12[%swap3A_318, %swap3A_319] {strides = array<i32>} : memref<80x64xf32, #tpu.memory_space<vmem>>, vector<1x16xf32>,
        %swap3A_321 = vector.shape_cast %swap3A_320 : vector<1x16xf32> to vector<16xf32>
        %swap3A_322 = vector.shape_cast %mul3A_317 : vector<16xf32> to vector<1x16xf32>
        tpu.vector_store %arg12[%swap3A_318, %swap3A_319], %swap3A_322 {strides = array<i32>} : memref<80x64xf32, #tpu.memory_space<vmem>>, vector<1x16xf32>,
        %mul3A_323 = arith.constant 16 : i32
        %mul3A_324 = arith.muli %add3A_40, %mul3A_323 : i32
        %add3A_325 = arith.constant 6 : i32
        %add3A_326 = arith.addi %mul3A_324, %add3A_325 : i32
        %slice3A_327 = vector.extract_strided_slice %get3A_44 {offsets = [6], sizes = [1], strides = [1]} : vector<16xf32> to vector<1xf32>
        %squeeze3A_328 = vector.extract %slice3A_327[0] : f32 from vector<1xf32>
        %broadcast_in_dim3A_329 = vector.broadcast %squeeze3A_328 : f32 to vector<16xf32>
        %get3A_330 = arith.index_cast %add3A_326 : i32 to index
        %get3A_331 = arith.constant 0 : index
        %get3A_332 = tpu.vector_load %arg12[%get3A_330, %get3A_331] {strides = array<i32>} : memref<80x64xf32, #tpu.memory_space<vmem>>, vector<1x16xf32>,
        %get3A_333 = vector.shape_cast %get3A_332 : vector<1x16xf32> to vector<16xf32>
        %mul3A_334 = arith.mulf %get3A_333, %broadcast_in_dim3A_329 : vector<16xf32>
        %swap3A_335 = arith.index_cast %add3A_326 : i32 to index
        %swap3A_336 = arith.constant 0 : index
        %swap3A_337 = tpu.vector_load %arg12[%swap3A_335, %swap3A_336] {strides = array<i32>} : memref<80x64xf32, #tpu.memory_space<vmem>>, vector<1x16xf32>,
        %swap3A_338 = vector.shape_cast %swap3A_337 : vector<1x16xf32> to vector<16xf32>
        %swap3A_339 = vector.shape_cast %mul3A_334 : vector<16xf32> to vector<1x16xf32>
        tpu.vector_store %arg12[%swap3A_335, %swap3A_336], %swap3A_339 {strides = array<i32>} : memref<80x64xf32, #tpu.memory_space<vmem>>, vector<1x16xf32>,
        %get3A_340 = arith.index_cast %add3A_326 : i32 to index
        %get3A_341 = arith.constant 16 : index
        %get3A_342 = tpu.vector_load %arg12[%get3A_340, %get3A_341] {strides = array<i32>} : memref<80x64xf32, #tpu.memory_space<vmem>>, vector<1x16xf32>,
        %get3A_343 = vector.shape_cast %get3A_342 : vector<1x16xf32> to vector<16xf32>
        %mul3A_344 = arith.mulf %get3A_343, %broadcast_in_dim3A_329 : vector<16xf32>
        %swap3A_345 = arith.index_cast %add3A_326 : i32 to index
        %swap3A_346 = arith.constant 16 : index
        %swap3A_347 = tpu.vector_load %arg12[%swap3A_345, %swap3A_346] {strides = array<i32>} : memref<80x64xf32, #tpu.memory_space<vmem>>, vector<1x16xf32>,
        %swap3A_348 = vector.shape_cast %swap3A_347 : vector<1x16xf32> to vector<16xf32>
        %swap3A_349 = vector.shape_cast %mul3A_344 : vector<16xf32> to vector<1x16xf32>
        tpu.vector_store %arg12[%swap3A_345, %swap3A_346], %swap3A_349 {strides = array<i32>} : memref<80x64xf32, #tpu.memory_space<vmem>>, vector<1x16xf32>,
        %get3A_350 = arith.index_cast %add3A_326 : i32 to index
        %get3A_351 = arith.constant 32 : index
        %get3A_352 = tpu.vector_load %arg12[%get3A_350, %get3A_351] {strides = array<i32>} : memref<80x64xf32, #tpu.memory_space<vmem>>, vector<1x16xf32>,
        %get3A_353 = vector.shape_cast %get3A_352 : vector<1x16xf32> to vector<16xf32>
        %mul3A_354 = arith.mulf %get3A_353, %broadcast_in_dim3A_329 : vector<16xf32>
        %swap3A_355 = arith.index_cast %add3A_326 : i32 to index
        %swap3A_356 = arith.constant 32 : index
        %swap3A_357 = tpu.vector_load %arg12[%swap3A_355, %swap3A_356] {strides = array<i32>} : memref<80x64xf32, #tpu.memory_space<vmem>>, vector<1x16xf32>,
        %swap3A_358 = vector.shape_cast %swap3A_357 : vector<1x16xf32> to vector<16xf32>
        %swap3A_359 = vector.shape_cast %mul3A_354 : vector<16xf32> to vector<1x16xf32>
        tpu.vector_store %arg12[%swap3A_355, %swap3A_356], %swap3A_359 {strides = array<i32>} : memref<80x64xf32, #tpu.memory_space<vmem>>, vector<1x16xf32>,
        %get3A_360 = arith.index_cast %add3A_326 : i32 to index
        %get3A_361 = arith.constant 48 : index
        %get3A_362 = tpu.vector_load %arg12[%get3A_360, %get3A_361] {strides = array<i32>} : memref<80x64xf32, #tpu.memory_space<vmem>>, vector<1x16xf32>,
        %get3A_363 = vector.shape_cast %get3A_362 : vector<1x16xf32> to vector<16xf32>
        %mul3A_364 = arith.mulf %get3A_363, %broadcast_in_dim3A_329 : vector<16xf32>
        %swap3A_365 = arith.index_cast %add3A_326 : i32 to index
        %swap3A_366 = arith.constant 48 : index
        %swap3A_367 = tpu.vector_load %arg12[%swap3A_365, %swap3A_366] {strides = array<i32>} : memref<80x64xf32, #tpu.memory_space<vmem>>, vector<1x16xf32>,
        %swap3A_368 = vector.shape_cast %swap3A_367 : vector<1x16xf32> to vector<16xf32>
        %swap3A_369 = vector.shape_cast %mul3A_364 : vector<16xf32> to vector<1x16xf32>
        tpu.vector_store %arg12[%swap3A_365, %swap3A_366], %swap3A_369 {strides = array<i32>} : memref<80x64xf32, #tpu.memory_space<vmem>>, vector<1x16xf32>,
        %mul3A_370 = arith.constant 16 : i32
        %mul3A_371 = arith.muli %add3A_40, %mul3A_370 : i32
        %add3A_372 = arith.constant 7 : i32
        %add3A_373 = arith.addi %mul3A_371, %add3A_372 : i32
        %slice3A_374 = vector.extract_strided_slice %get3A_44 {offsets = [7], sizes = [1], strides = [1]} : vector<16xf32> to vector<1xf32>
        %squeeze3A_375 = vector.extract %slice3A_374[0] : f32 from vector<1xf32>
        %broadcast_in_dim3A_376 = vector.broadcast %squeeze3A_375 : f32 to vector<16xf32>
        %get3A_377 = arith.index_cast %add3A_373 : i32 to index
        %get3A_378 = arith.constant 0 : index
        %get3A_379 = tpu.vector_load %arg12[%get3A_377, %get3A_378] {strides = array<i32>} : memref<80x64xf32, #tpu.memory_space<vmem>>, vector<1x16xf32>,
        %get3A_380 = vector.shape_cast %get3A_379 : vector<1x16xf32> to vector<16xf32>
        %mul3A_381 = arith.mulf %get3A_380, %broadcast_in_dim3A_376 : vector<16xf32>
        %swap3A_382 = arith.index_cast %add3A_373 : i32 to index
        %swap3A_383 = arith.constant 0 : index
        %swap3A_384 = tpu.vector_load %arg12[%swap3A_382, %swap3A_383] {strides = array<i32>} : memref<80x64xf32, #tpu.memory_space<vmem>>, vector<1x16xf32>,
        %swap3A_385 = vector.shape_cast %swap3A_384 : vector<1x16xf32> to vector<16xf32>
        %swap3A_386 = vector.shape_cast %mul3A_381 : vector<16xf32> to vector<1x16xf32>
        tpu.vector_store %arg12[%swap3A_382, %swap3A_383], %swap3A_386 {strides = array<i32>} : memref<80x64xf32, #tpu.memory_space<vmem>>, vector<1x16xf32>,
        %get3A_387 = arith.index_cast %add3A_373 : i32 to index
        %get3A_388 = arith.constant 16 : index
        %get3A_389 = tpu.vector_load %arg12[%get3A_387, %get3A_388] {strides = array<i32>} : memref<80x64xf32, #tpu.memory_space<vmem>>, vector<1x16xf32>,
        %get3A_390 = vector.shape_cast %get3A_389 : vector<1x16xf32> to vector<16xf32>
        %mul3A_391 = arith.mulf %get3A_390, %broadcast_in_dim3A_376 : vector<16xf32>
        %swap3A_392 = arith.index_cast %add3A_373 : i32 to index
        %swap3A_393 = arith.constant 16 : index
        %swap3A_394 = tpu.vector_load %arg12[%swap3A_392, %swap3A_393] {strides = array<i32>} : memref<80x64xf32, #tpu.memory_space<vmem>>, vector<1x16xf32>,
        %swap3A_395 = vector.shape_cast %swap3A_394 : vector<1x16xf32> to vector<16xf32>
        %swap3A_396 = vector.shape_cast %mul3A_391 : vector<16xf32> to vector<1x16xf32>
        tpu.vector_store %arg12[%swap3A_392, %swap3A_393], %swap3A_396 {strides = array<i32>} : memref<80x64xf32, #tpu.memory_space<vmem>>, vector<1x16xf32>,
        %get3A_397 = arith.index_cast %add3A_373 : i32 to index
        %get3A_398 = arith.constant 32 : index
        %get3A_399 = tpu.vector_load %arg12[%get3A_397, %get3A_398] {strides = array<i32>} : memref<80x64xf32, #tpu.memory_space<vmem>>, vector<1x16xf32>,
        %get3A_400 = vector.shape_cast %get3A_399 : vector<1x16xf32> to vector<16xf32>
        %mul3A_401 = arith.mulf %get3A_400, %broadcast_in_dim3A_376 : vector<16xf32>
        %swap3A_402 = arith.index_cast %add3A_373 : i32 to index
        %swap3A_403 = arith.constant 32 : index
        %swap3A_404 = tpu.vector_load %arg12[%swap3A_402, %swap3A_403] {strides = array<i32>} : memref<80x64xf32, #tpu.memory_space<vmem>>, vector<1x16xf32>,
        %swap3A_405 = vector.shape_cast %swap3A_404 : vector<1x16xf32> to vector<16xf32>
        %swap3A_406 = vector.shape_cast %mul3A_401 : vector<16xf32> to vector<1x16xf32>
        tpu.vector_store %arg12[%swap3A_402, %swap3A_403], %swap3A_406 {strides = array<i32>} : memref<80x64xf32, #tpu.memory_space<vmem>>, vector<1x16xf32>,
        %get3A_407 = arith.index_cast %add3A_373 : i32 to index
        %get3A_408 = arith.constant 48 : index
        %get3A_409 = tpu.vector_load %arg12[%get3A_407, %get3A_408] {strides = array<i32>} : memref<80x64xf32, #tpu.memory_space<vmem>>, vector<1x16xf32>,
        %get3A_410 = vector.shape_cast %get3A_409 : vector<1x16xf32> to vector<16xf32>
        %mul3A_411 = arith.mulf %get3A_410, %broadcast_in_dim3A_376 : vector<16xf32>
        %swap3A_412 = arith.index_cast %add3A_373 : i32 to index
        %swap3A_413 = arith.constant 48 : index
        %swap3A_414 = tpu.vector_load %arg12[%swap3A_412, %swap3A_413] {strides = array<i32>} : memref<80x64xf32, #tpu.memory_space<vmem>>, vector<1x16xf32>,
        %swap3A_415 = vector.shape_cast %swap3A_414 : vector<1x16xf32> to vector<16xf32>
        %swap3A_416 = vector.shape_cast %mul3A_411 : vector<16xf32> to vector<1x16xf32>
        tpu.vector_store %arg12[%swap3A_412, %swap3A_413], %swap3A_416 {strides = array<i32>} : memref<80x64xf32, #tpu.memory_space<vmem>>, vector<1x16xf32>,
        %mul3A_417 = arith.constant 16 : i32
        %mul3A_418 = arith.muli %add3A_40, %mul3A_417 : i32
        %add3A_419 = arith.constant 8 : i32
        %add3A_420 = arith.addi %mul3A_418, %add3A_419 : i32
        %slice3A_421 = vector.extract_strided_slice %get3A_44 {offsets = [8], sizes = [1], strides = [1]} : vector<16xf32> to vector<1xf32>
        %squeeze3A_422 = vector.extract %slice3A_421[0] : f32 from vector<1xf32>
        %broadcast_in_dim3A_423 = vector.broadcast %squeeze3A_422 : f32 to vector<16xf32>
        %get3A_424 = arith.index_cast %add3A_420 : i32 to index
        %get3A_425 = arith.constant 0 : index
        %get3A_426 = tpu.vector_load %arg12[%get3A_424, %get3A_425] {strides = array<i32>} : memref<80x64xf32, #tpu.memory_space<vmem>>, vector<1x16xf32>,
        %get3A_427 = vector.shape_cast %get3A_426 : vector<1x16xf32> to vector<16xf32>
        %mul3A_428 = arith.mulf %get3A_427, %broadcast_in_dim3A_423 : vector<16xf32>
        %swap3A_429 = arith.index_cast %add3A_420 : i32 to index
        %swap3A_430 = arith.constant 0 : index
        %swap3A_431 = tpu.vector_load %arg12[%swap3A_429, %swap3A_430] {strides = array<i32>} : memref<80x64xf32, #tpu.memory_space<vmem>>, vector<1x16xf32>,
        %swap3A_432 = vector.shape_cast %swap3A_431 : vector<1x16xf32> to vector<16xf32>
        %swap3A_433 = vector.shape_cast %mul3A_428 : vector<16xf32> to vector<1x16xf32>
        tpu.vector_store %arg12[%swap3A_429, %swap3A_430], %swap3A_433 {strides = array<i32>} : memref<80x64xf32, #tpu.memory_space<vmem>>, vector<1x16xf32>,
        %get3A_434 = arith.index_cast %add3A_420 : i32 to index
        %get3A_435 = arith.constant 16 : index
        %get3A_436 = tpu.vector_load %arg12[%get3A_434, %get3A_435] {strides = array<i32>} : memref<80x64xf32, #tpu.memory_space<vmem>>, vector<1x16xf32>,
        %get3A_437 = vector.shape_cast %get3A_436 : vector<1x16xf32> to vector<16xf32>
        %mul3A_438 = arith.mulf %get3A_437, %broadcast_in_dim3A_423 : vector<16xf32>
        %swap3A_439 = arith.index_cast %add3A_420 : i32 to index
        %swap3A_440 = arith.constant 16 : index
        %swap3A_441 = tpu.vector_load %arg12[%swap3A_439, %swap3A_440] {strides = array<i32>} : memref<80x64xf32, #tpu.memory_space<vmem>>, vector<1x16xf32>,
        %swap3A_442 = vector.shape_cast %swap3A_441 : vector<1x16xf32> to vector<16xf32>
        %swap3A_443 = vector.shape_cast %mul3A_438 : vector<16xf32> to vector<1x16xf32>
        tpu.vector_store %arg12[%swap3A_439, %swap3A_440], %swap3A_443 {strides = array<i32>} : memref<80x64xf32, #tpu.memory_space<vmem>>, vector<1x16xf32>,
        %get3A_444 = arith.index_cast %add3A_420 : i32 to index
        %get3A_445 = arith.constant 32 : index
        %get3A_446 = tpu.vector_load %arg12[%get3A_444, %get3A_445] {strides = array<i32>} : memref<80x64xf32, #tpu.memory_space<vmem>>, vector<1x16xf32>,
        %get3A_447 = vector.shape_cast %get3A_446 : vector<1x16xf32> to vector<16xf32>
        %mul3A_448 = arith.mulf %get3A_447, %broadcast_in_dim3A_423 : vector<16xf32>
        %swap3A_449 = arith.index_cast %add3A_420 : i32 to index
        %swap3A_450 = arith.constant 32 : index
        %swap3A_451 = tpu.vector_load %arg12[%swap3A_449, %swap3A_450] {strides = array<i32>} : memref<80x64xf32, #tpu.memory_space<vmem>>, vector<1x16xf32>,
        %swap3A_452 = vector.shape_cast %swap3A_451 : vector<1x16xf32> to vector<16xf32>
        %swap3A_453 = vector.shape_cast %mul3A_448 : vector<16xf32> to vector<1x16xf32>
        tpu.vector_store %arg12[%swap3A_449, %swap3A_450], %swap3A_453 {strides = array<i32>} : memref<80x64xf32, #tpu.memory_space<vmem>>, vector<1x16xf32>,
        %get3A_454 = arith.index_cast %add3A_420 : i32 to index
        %get3A_455 = arith.constant 48 : index
        %get3A_456 = tpu.vector_load %arg12[%get3A_454, %get3A_455] {strides = array<i32>} : memref<80x64xf32, #tpu.memory_space<vmem>>, vector<1x16xf32>,
        %get3A_457 = vector.shape_cast %get3A_456 : vector<1x16xf32> to vector<16xf32>
        %mul3A_458 = arith.mulf %get3A_457, %broadcast_in_dim3A_423 : vector<16xf32>
        %swap3A_459 = arith.index_cast %add3A_420 : i32 to index
        %swap3A_460 = arith.constant 48 : index
        %swap3A_461 = tpu.vector_load %arg12[%swap3A_459, %swap3A_460] {strides = array<i32>} : memref<80x64xf32, #tpu.memory_space<vmem>>, vector<1x16xf32>,
        %swap3A_462 = vector.shape_cast %swap3A_461 : vector<1x16xf32> to vector<16xf32>
        %swap3A_463 = vector.shape_cast %mul3A_458 : vector<16xf32> to vector<1x16xf32>
        tpu.vector_store %arg12[%swap3A_459, %swap3A_460], %swap3A_463 {strides = array<i32>} : memref<80x64xf32, #tpu.memory_space<vmem>>, vector<1x16xf32>,
        %mul3A_464 = arith.constant 16 : i32
        %mul3A_465 = arith.muli %add3A_40, %mul3A_464 : i32
        %add3A_466 = arith.constant 9 : i32
        %add3A_467 = arith.addi %mul3A_465, %add3A_466 : i32
        %slice3A_468 = vector.extract_strided_slice %get3A_44 {offsets = [9], sizes = [1], strides = [1]} : vector<16xf32> to vector<1xf32>
        %squeeze3A_469 = vector.extract %slice3A_468[0] : f32 from vector<1xf32>
        %broadcast_in_dim3A_470 = vector.broadcast %squeeze3A_469 : f32 to vector<16xf32>
        %get3A_471 = arith.index_cast %add3A_467 : i32 to index
        %get3A_472 = arith.constant 0 : index
        %get3A_473 = tpu.vector_load %arg12[%get3A_471, %get3A_472] {strides = array<i32>} : memref<80x64xf32, #tpu.memory_space<vmem>>, vector<1x16xf32>,
        %get3A_474 = vector.shape_cast %get3A_473 : vector<1x16xf32> to vector<16xf32>
        %mul3A_475 = arith.mulf %get3A_474, %broadcast_in_dim3A_470 : vector<16xf32>
        %swap3A_476 = arith.index_cast %add3A_467 : i32 to index
        %swap3A_477 = arith.constant 0 : index
        %swap3A_478 = tpu.vector_load %arg12[%swap3A_476, %swap3A_477] {strides = array<i32>} : memref<80x64xf32, #tpu.memory_space<vmem>>, vector<1x16xf32>,
        %swap3A_479 = vector.shape_cast %swap3A_478 : vector<1x16xf32> to vector<16xf32>
        %swap3A_480 = vector.shape_cast %mul3A_475 : vector<16xf32> to vector<1x16xf32>
        tpu.vector_store %arg12[%swap3A_476, %swap3A_477], %swap3A_480 {strides = array<i32>} : memref<80x64xf32, #tpu.memory_space<vmem>>, vector<1x16xf32>,
        %get3A_481 = arith.index_cast %add3A_467 : i32 to index
        %get3A_482 = arith.constant 16 : index
        %get3A_483 = tpu.vector_load %arg12[%get3A_481, %get3A_482] {strides = array<i32>} : memref<80x64xf32, #tpu.memory_space<vmem>>, vector<1x16xf32>,
        %get3A_484 = vector.shape_cast %get3A_483 : vector<1x16xf32> to vector<16xf32>
        %mul3A_485 = arith.mulf %get3A_484, %broadcast_in_dim3A_470 : vector<16xf32>
        %swap3A_486 = arith.index_cast %add3A_467 : i32 to index
        %swap3A_487 = arith.constant 16 : index
        %swap3A_488 = tpu.vector_load %arg12[%swap3A_486, %swap3A_487] {strides = array<i32>} : memref<80x64xf32, #tpu.memory_space<vmem>>, vector<1x16xf32>,
        %swap3A_489 = vector.shape_cast %swap3A_488 : vector<1x16xf32> to vector<16xf32>
        %swap3A_490 = vector.shape_cast %mul3A_485 : vector<16xf32> to vector<1x16xf32>
        tpu.vector_store %arg12[%swap3A_486, %swap3A_487], %swap3A_490 {strides = array<i32>} : memref<80x64xf32, #tpu.memory_space<vmem>>, vector<1x16xf32>,
        %get3A_491 = arith.index_cast %add3A_467 : i32 to index
        %get3A_492 = arith.constant 32 : index
        %get3A_493 = tpu.vector_load %arg12[%get3A_491, %get3A_492] {strides = array<i32>} : memref<80x64xf32, #tpu.memory_space<vmem>>, vector<1x16xf32>,
        %get3A_494 = vector.shape_cast %get3A_493 : vector<1x16xf32> to vector<16xf32>
        %mul3A_495 = arith.mulf %get3A_494, %broadcast_in_dim3A_470 : vector<16xf32>
        %swap3A_496 = arith.index_cast %add3A_467 : i32 to index
        %swap3A_497 = arith.constant 32 : index
        %swap3A_498 = tpu.vector_load %arg12[%swap3A_496, %swap3A_497] {strides = array<i32>} : memref<80x64xf32, #tpu.memory_space<vmem>>, vector<1x16xf32>,
        %swap3A_499 = vector.shape_cast %swap3A_498 : vector<1x16xf32> to vector<16xf32>
        %swap3A_500 = vector.shape_cast %mul3A_495 : vector<16xf32> to vector<1x16xf32>
        tpu.vector_store %arg12[%swap3A_496, %swap3A_497], %swap3A_500 {strides = array<i32>} : memref<80x64xf32, #tpu.memory_space<vmem>>, vector<1x16xf32>,
        %get3A_501 = arith.index_cast %add3A_467 : i32 to index
        %get3A_502 = arith.constant 48 : index
        %get3A_503 = tpu.vector_load %arg12[%get3A_501, %get3A_502] {strides = array<i32>} : memref<80x64xf32, #tpu.memory_space<vmem>>, vector<1x16xf32>,
        %get3A_504 = vector.shape_cast %get3A_503 : vector<1x16xf32> to vector<16xf32>
        %mul3A_505 = arith.mulf %get3A_504, %broadcast_in_dim3A_470 : vector<16xf32>
        %swap3A_506 = arith.index_cast %add3A_467 : i32 to index
        %swap3A_507 = arith.constant 48 : index
        %swap3A_508 = tpu.vector_load %arg12[%swap3A_506, %swap3A_507] {strides = array<i32>} : memref<80x64xf32, #tpu.memory_space<vmem>>, vector<1x16xf32>,
        %swap3A_509 = vector.shape_cast %swap3A_508 : vector<1x16xf32> to vector<16xf32>
        %swap3A_510 = vector.shape_cast %mul3A_505 : vector<16xf32> to vector<1x16xf32>
        tpu.vector_store %arg12[%swap3A_506, %swap3A_507], %swap3A_510 {strides = array<i32>} : memref<80x64xf32, #tpu.memory_space<vmem>>, vector<1x16xf32>,
        %mul3A_511 = arith.constant 16 : i32
        %mul3A_512 = arith.muli %add3A_40, %mul3A_511 : i32
        %add3A_513 = arith.constant 10 : i32
        %add3A_514 = arith.addi %mul3A_512, %add3A_513 : i32
        %slice3A_515 = vector.extract_strided_slice %get3A_44 {offsets = [10], sizes = [1], strides = [1]} : vector<16xf32> to vector<1xf32>
        %squeeze3A_516 = vector.extract %slice3A_515[0] : f32 from vector<1xf32>
        %broadcast_in_dim3A_517 = vector.broadcast %squeeze3A_516 : f32 to vector<16xf32>
        %get3A_518 = arith.index_cast %add3A_514 : i32 to index
        %get3A_519 = arith.constant 0 : index
        %get3A_520 = tpu.vector_load %arg12[%get3A_518, %get3A_519] {strides = array<i32>} : memref<80x64xf32, #tpu.memory_space<vmem>>, vector<1x16xf32>,
        %get3A_521 = vector.shape_cast %get3A_520 : vector<1x16xf32> to vector<16xf32>
        %mul3A_522 = arith.mulf %get3A_521, %broadcast_in_dim3A_517 : vector<16xf32>
        %swap3A_523 = arith.index_cast %add3A_514 : i32 to index
        %swap3A_524 = arith.constant 0 : index
        %swap3A_525 = tpu.vector_load %arg12[%swap3A_523, %swap3A_524] {strides = array<i32>} : memref<80x64xf32, #tpu.memory_space<vmem>>, vector<1x16xf32>,
        %swap3A_526 = vector.shape_cast %swap3A_525 : vector<1x16xf32> to vector<16xf32>
        %swap3A_527 = vector.shape_cast %mul3A_522 : vector<16xf32> to vector<1x16xf32>
        tpu.vector_store %arg12[%swap3A_523, %swap3A_524], %swap3A_527 {strides = array<i32>} : memref<80x64xf32, #tpu.memory_space<vmem>>, vector<1x16xf32>,
        %get3A_528 = arith.index_cast %add3A_514 : i32 to index
        %get3A_529 = arith.constant 16 : index
        %get3A_530 = tpu.vector_load %arg12[%get3A_528, %get3A_529] {strides = array<i32>} : memref<80x64xf32, #tpu.memory_space<vmem>>, vector<1x16xf32>,
        %get3A_531 = vector.shape_cast %get3A_530 : vector<1x16xf32> to vector<16xf32>
        %mul3A_532 = arith.mulf %get3A_531, %broadcast_in_dim3A_517 : vector<16xf32>
        %swap3A_533 = arith.index_cast %add3A_514 : i32 to index
        %swap3A_534 = arith.constant 16 : index
        %swap3A_535 = tpu.vector_load %arg12[%swap3A_533, %swap3A_534] {strides = array<i32>} : memref<80x64xf32, #tpu.memory_space<vmem>>, vector<1x16xf32>,
        %swap3A_536 = vector.shape_cast %swap3A_535 : vector<1x16xf32> to vector<16xf32>
        %swap3A_537 = vector.shape_cast %mul3A_532 : vector<16xf32> to vector<1x16xf32>
        tpu.vector_store %arg12[%swap3A_533, %swap3A_534], %swap3A_537 {strides = array<i32>} : memref<80x64xf32, #tpu.memory_space<vmem>>, vector<1x16xf32>,
        %get3A_538 = arith.index_cast %add3A_514 : i32 to index
        %get3A_539 = arith.constant 32 : index
        %get3A_540 = tpu.vector_load %arg12[%get3A_538, %get3A_539] {strides = array<i32>} : memref<80x64xf32, #tpu.memory_space<vmem>>, vector<1x16xf32>,
        %get3A_541 = vector.shape_cast %get3A_540 : vector<1x16xf32> to vector<16xf32>
        %mul3A_542 = arith.mulf %get3A_541, %broadcast_in_dim3A_517 : vector<16xf32>
        %swap3A_543 = arith.index_cast %add3A_514 : i32 to index
        %swap3A_544 = arith.constant 32 : index
        %swap3A_545 = tpu.vector_load %arg12[%swap3A_543, %swap3A_544] {strides = array<i32>} : memref<80x64xf32, #tpu.memory_space<vmem>>, vector<1x16xf32>,
        %swap3A_546 = vector.shape_cast %swap3A_545 : vector<1x16xf32> to vector<16xf32>
        %swap3A_547 = vector.shape_cast %mul3A_542 : vector<16xf32> to vector<1x16xf32>
        tpu.vector_store %arg12[%swap3A_543, %swap3A_544], %swap3A_547 {strides = array<i32>} : memref<80x64xf32, #tpu.memory_space<vmem>>, vector<1x16xf32>,
        %get3A_548 = arith.index_cast %add3A_514 : i32 to index
        %get3A_549 = arith.constant 48 : index
        %get3A_550 = tpu.vector_load %arg12[%get3A_548, %get3A_549] {strides = array<i32>} : memref<80x64xf32, #tpu.memory_space<vmem>>, vector<1x16xf32>,
        %get3A_551 = vector.shape_cast %get3A_550 : vector<1x16xf32> to vector<16xf32>
        %mul3A_552 = arith.mulf %get3A_551, %broadcast_in_dim3A_517 : vector<16xf32>
        %swap3A_553 = arith.index_cast %add3A_514 : i32 to index
        %swap3A_554 = arith.constant 48 : index
        %swap3A_555 = tpu.vector_load %arg12[%swap3A_553, %swap3A_554] {strides = array<i32>} : memref<80x64xf32, #tpu.memory_space<vmem>>, vector<1x16xf32>,
        %swap3A_556 = vector.shape_cast %swap3A_555 : vector<1x16xf32> to vector<16xf32>
        %swap3A_557 = vector.shape_cast %mul3A_552 : vector<16xf32> to vector<1x16xf32>
        tpu.vector_store %arg12[%swap3A_553, %swap3A_554], %swap3A_557 {strides = array<i32>} : memref<80x64xf32, #tpu.memory_space<vmem>>, vector<1x16xf32>,
        %mul3A_558 = arith.constant 16 : i32
        %mul3A_559 = arith.muli %add3A_40, %mul3A_558 : i32
        %add3A_560 = arith.constant 11 : i32
        %add3A_561 = arith.addi %mul3A_559, %add3A_560 : i32
        %slice3A_562 = vector.extract_strided_slice %get3A_44 {offsets = [11], sizes = [1], strides = [1]} : vector<16xf32> to vector<1xf32>
        %squeeze3A_563 = vector.extract %slice3A_562[0] : f32 from vector<1xf32>
        %broadcast_in_dim3A_564 = vector.broadcast %squeeze3A_563 : f32 to vector<16xf32>
        %get3A_565 = arith.index_cast %add3A_561 : i32 to index
        %get3A_566 = arith.constant 0 : index
        %get3A_567 = tpu.vector_load %arg12[%get3A_565, %get3A_566] {strides = array<i32>} : memref<80x64xf32, #tpu.memory_space<vmem>>, vector<1x16xf32>,
        %get3A_568 = vector.shape_cast %get3A_567 : vector<1x16xf32> to vector<16xf32>
        %mul3A_569 = arith.mulf %get3A_568, %broadcast_in_dim3A_564 : vector<16xf32>
        %swap3A_570 = arith.index_cast %add3A_561 : i32 to index
        %swap3A_571 = arith.constant 0 : index
        %swap3A_572 = tpu.vector_load %arg12[%swap3A_570, %swap3A_571] {strides = array<i32>} : memref<80x64xf32, #tpu.memory_space<vmem>>, vector<1x16xf32>,
        %swap3A_573 = vector.shape_cast %swap3A_572 : vector<1x16xf32> to vector<16xf32>
        %swap3A_574 = vector.shape_cast %mul3A_569 : vector<16xf32> to vector<1x16xf32>
        tpu.vector_store %arg12[%swap3A_570, %swap3A_571], %swap3A_574 {strides = array<i32>} : memref<80x64xf32, #tpu.memory_space<vmem>>, vector<1x16xf32>,
        %get3A_575 = arith.index_cast %add3A_561 : i32 to index
        %get3A_576 = arith.constant 16 : index
        %get3A_577 = tpu.vector_load %arg12[%get3A_575, %get3A_576] {strides = array<i32>} : memref<80x64xf32, #tpu.memory_space<vmem>>, vector<1x16xf32>,
        %get3A_578 = vector.shape_cast %get3A_577 : vector<1x16xf32> to vector<16xf32>
        %mul3A_579 = arith.mulf %get3A_578, %broadcast_in_dim3A_564 : vector<16xf32>
        %swap3A_580 = arith.index_cast %add3A_561 : i32 to index
        %swap3A_581 = arith.constant 16 : index
        %swap3A_582 = tpu.vector_load %arg12[%swap3A_580, %swap3A_581] {strides = array<i32>} : memref<80x64xf32, #tpu.memory_space<vmem>>, vector<1x16xf32>,
        %swap3A_583 = vector.shape_cast %swap3A_582 : vector<1x16xf32> to vector<16xf32>
        %swap3A_584 = vector.shape_cast %mul3A_579 : vector<16xf32> to vector<1x16xf32>
        tpu.vector_store %arg12[%swap3A_580, %swap3A_581], %swap3A_584 {strides = array<i32>} : memref<80x64xf32, #tpu.memory_space<vmem>>, vector<1x16xf32>,
        %get3A_585 = arith.index_cast %add3A_561 : i32 to index
        %get3A_586 = arith.constant 32 : index
        %get3A_587 = tpu.vector_load %arg12[%get3A_585, %get3A_586] {strides = array<i32>} : memref<80x64xf32, #tpu.memory_space<vmem>>, vector<1x16xf32>,
        %get3A_588 = vector.shape_cast %get3A_587 : vector<1x16xf32> to vector<16xf32>
        %mul3A_589 = arith.mulf %get3A_588, %broadcast_in_dim3A_564 : vector<16xf32>
        %swap3A_590 = arith.index_cast %add3A_561 : i32 to index
        %swap3A_591 = arith.constant 32 : index
        %swap3A_592 = tpu.vector_load %arg12[%swap3A_590, %swap3A_591] {strides = array<i32>} : memref<80x64xf32, #tpu.memory_space<vmem>>, vector<1x16xf32>,
        %swap3A_593 = vector.shape_cast %swap3A_592 : vector<1x16xf32> to vector<16xf32>
        %swap3A_594 = vector.shape_cast %mul3A_589 : vector<16xf32> to vector<1x16xf32>
        tpu.vector_store %arg12[%swap3A_590, %swap3A_591], %swap3A_594 {strides = array<i32>} : memref<80x64xf32, #tpu.memory_space<vmem>>, vector<1x16xf32>,
        %get3A_595 = arith.index_cast %add3A_561 : i32 to index
        %get3A_596 = arith.constant 48 : index
        %get3A_597 = tpu.vector_load %arg12[%get3A_595, %get3A_596] {strides = array<i32>} : memref<80x64xf32, #tpu.memory_space<vmem>>, vector<1x16xf32>,
        %get3A_598 = vector.shape_cast %get3A_597 : vector<1x16xf32> to vector<16xf32>
        %mul3A_599 = arith.mulf %get3A_598, %broadcast_in_dim3A_564 : vector<16xf32>
        %swap3A_600 = arith.index_cast %add3A_561 : i32 to index
        %swap3A_601 = arith.constant 48 : index
        %swap3A_602 = tpu.vector_load %arg12[%swap3A_600, %swap3A_601] {strides = array<i32>} : memref<80x64xf32, #tpu.memory_space<vmem>>, vector<1x16xf32>,
        %swap3A_603 = vector.shape_cast %swap3A_602 : vector<1x16xf32> to vector<16xf32>
        %swap3A_604 = vector.shape_cast %mul3A_599 : vector<16xf32> to vector<1x16xf32>
        tpu.vector_store %arg12[%swap3A_600, %swap3A_601], %swap3A_604 {strides = array<i32>} : memref<80x64xf32, #tpu.memory_space<vmem>>, vector<1x16xf32>,
        %mul3A_605 = arith.constant 16 : i32
        %mul3A_606 = arith.muli %add3A_40, %mul3A_605 : i32
        %add3A_607 = arith.constant 12 : i32
        %add3A_608 = arith.addi %mul3A_606, %add3A_607 : i32
        %slice3A_609 = vector.extract_strided_slice %get3A_44 {offsets = [12], sizes = [1], strides = [1]} : vector<16xf32> to vector<1xf32>
        %squeeze3A_610 = vector.extract %slice3A_609[0] : f32 from vector<1xf32>
        %broadcast_in_dim3A_611 = vector.broadcast %squeeze3A_610 : f32 to vector<16xf32>
        %get3A_612 = arith.index_cast %add3A_608 : i32 to index
        %get3A_613 = arith.constant 0 : index
        %get3A_614 = tpu.vector_load %arg12[%get3A_612, %get3A_613] {strides = array<i32>} : memref<80x64xf32, #tpu.memory_space<vmem>>, vector<1x16xf32>,
        %get3A_615 = vector.shape_cast %get3A_614 : vector<1x16xf32> to vector<16xf32>
        %mul3A_616 = arith.mulf %get3A_615, %broadcast_in_dim3A_611 : vector<16xf32>
        %swap3A_617 = arith.index_cast %add3A_608 : i32 to index
        %swap3A_618 = arith.constant 0 : index
        %swap3A_619 = tpu.vector_load %arg12[%swap3A_617, %swap3A_618] {strides = array<i32>} : memref<80x64xf32, #tpu.memory_space<vmem>>, vector<1x16xf32>,
        %swap3A_620 = vector.shape_cast %swap3A_619 : vector<1x16xf32> to vector<16xf32>
        %swap3A_621 = vector.shape_cast %mul3A_616 : vector<16xf32> to vector<1x16xf32>
        tpu.vector_store %arg12[%swap3A_617, %swap3A_618], %swap3A_621 {strides = array<i32>} : memref<80x64xf32, #tpu.memory_space<vmem>>, vector<1x16xf32>,
        %get3A_622 = arith.index_cast %add3A_608 : i32 to index
        %get3A_623 = arith.constant 16 : index
        %get3A_624 = tpu.vector_load %arg12[%get3A_622, %get3A_623] {strides = array<i32>} : memref<80x64xf32, #tpu.memory_space<vmem>>, vector<1x16xf32>,
        %get3A_625 = vector.shape_cast %get3A_624 : vector<1x16xf32> to vector<16xf32>
        %mul3A_626 = arith.mulf %get3A_625, %broadcast_in_dim3A_611 : vector<16xf32>
        %swap3A_627 = arith.index_cast %add3A_608 : i32 to index
        %swap3A_628 = arith.constant 16 : index
        %swap3A_629 = tpu.vector_load %arg12[%swap3A_627, %swap3A_628] {strides = array<i32>} : memref<80x64xf32, #tpu.memory_space<vmem>>, vector<1x16xf32>,
        %swap3A_630 = vector.shape_cast %swap3A_629 : vector<1x16xf32> to vector<16xf32>
        %swap3A_631 = vector.shape_cast %mul3A_626 : vector<16xf32> to vector<1x16xf32>
        tpu.vector_store %arg12[%swap3A_627, %swap3A_628], %swap3A_631 {strides = array<i32>} : memref<80x64xf32, #tpu.memory_space<vmem>>, vector<1x16xf32>,
        %get3A_632 = arith.index_cast %add3A_608 : i32 to index
        %get3A_633 = arith.constant 32 : index
        %get3A_634 = tpu.vector_load %arg12[%get3A_632, %get3A_633] {strides = array<i32>} : memref<80x64xf32, #tpu.memory_space<vmem>>, vector<1x16xf32>,
        %get3A_635 = vector.shape_cast %get3A_634 : vector<1x16xf32> to vector<16xf32>
        %mul3A_636 = arith.mulf %get3A_635, %broadcast_in_dim3A_611 : vector<16xf32>
        %swap3A_637 = arith.index_cast %add3A_608 : i32 to index
        %swap3A_638 = arith.constant 32 : index
        %swap3A_639 = tpu.vector_load %arg12[%swap3A_637, %swap3A_638] {strides = array<i32>} : memref<80x64xf32, #tpu.memory_space<vmem>>, vector<1x16xf32>,
        %swap3A_640 = vector.shape_cast %swap3A_639 : vector<1x16xf32> to vector<16xf32>
        %swap3A_641 = vector.shape_cast %mul3A_636 : vector<16xf32> to vector<1x16xf32>
        tpu.vector_store %arg12[%swap3A_637, %swap3A_638], %swap3A_641 {strides = array<i32>} : memref<80x64xf32, #tpu.memory_space<vmem>>, vector<1x16xf32>,
        %get3A_642 = arith.index_cast %add3A_608 : i32 to index
        %get3A_643 = arith.constant 48 : index
        %get3A_644 = tpu.vector_load %arg12[%get3A_642, %get3A_643] {strides = array<i32>} : memref<80x64xf32, #tpu.memory_space<vmem>>, vector<1x16xf32>,
        %get3A_645 = vector.shape_cast %get3A_644 : vector<1x16xf32> to vector<16xf32>
        %mul3A_646 = arith.mulf %get3A_645, %broadcast_in_dim3A_611 : vector<16xf32>
        %swap3A_647 = arith.index_cast %add3A_608 : i32 to index
        %swap3A_648 = arith.constant 48 : index
        %swap3A_649 = tpu.vector_load %arg12[%swap3A_647, %swap3A_648] {strides = array<i32>} : memref<80x64xf32, #tpu.memory_space<vmem>>, vector<1x16xf32>,
        %swap3A_650 = vector.shape_cast %swap3A_649 : vector<1x16xf32> to vector<16xf32>
        %swap3A_651 = vector.shape_cast %mul3A_646 : vector<16xf32> to vector<1x16xf32>
        tpu.vector_store %arg12[%swap3A_647, %swap3A_648], %swap3A_651 {strides = array<i32>} : memref<80x64xf32, #tpu.memory_space<vmem>>, vector<1x16xf32>,
        %mul3A_652 = arith.constant 16 : i32
        %mul3A_653 = arith.muli %add3A_40, %mul3A_652 : i32
        %add3A_654 = arith.constant 13 : i32
        %add3A_655 = arith.addi %mul3A_653, %add3A_654 : i32
        %slice3A_656 = vector.extract_strided_slice %get3A_44 {offsets = [13], sizes = [1], strides = [1]} : vector<16xf32> to vector<1xf32>
        %squeeze3A_657 = vector.extract %slice3A_656[0] : f32 from vector<1xf32>
        %broadcast_in_dim3A_658 = vector.broadcast %squeeze3A_657 : f32 to vector<16xf32>
        %get3A_659 = arith.index_cast %add3A_655 : i32 to index
        %get3A_660 = arith.constant 0 : index
        %get3A_661 = tpu.vector_load %arg12[%get3A_659, %get3A_660] {strides = array<i32>} : memref<80x64xf32, #tpu.memory_space<vmem>>, vector<1x16xf32>,
        %get3A_662 = vector.shape_cast %get3A_661 : vector<1x16xf32> to vector<16xf32>
        %mul3A_663 = arith.mulf %get3A_662, %broadcast_in_dim3A_658 : vector<16xf32>
        %swap3A_664 = arith.index_cast %add3A_655 : i32 to index
        %swap3A_665 = arith.constant 0 : index
        %swap3A_666 = tpu.vector_load %arg12[%swap3A_664, %swap3A_665] {strides = array<i32>} : memref<80x64xf32, #tpu.memory_space<vmem>>, vector<1x16xf32>,
        %swap3A_667 = vector.shape_cast %swap3A_666 : vector<1x16xf32> to vector<16xf32>
        %swap3A_668 = vector.shape_cast %mul3A_663 : vector<16xf32> to vector<1x16xf32>
        tpu.vector_store %arg12[%swap3A_664, %swap3A_665], %swap3A_668 {strides = array<i32>} : memref<80x64xf32, #tpu.memory_space<vmem>>, vector<1x16xf32>,
        %get3A_669 = arith.index_cast %add3A_655 : i32 to index
        %get3A_670 = arith.constant 16 : index
        %get3A_671 = tpu.vector_load %arg12[%get3A_669, %get3A_670] {strides = array<i32>} : memref<80x64xf32, #tpu.memory_space<vmem>>, vector<1x16xf32>,
        %get3A_672 = vector.shape_cast %get3A_671 : vector<1x16xf32> to vector<16xf32>
        %mul3A_673 = arith.mulf %get3A_672, %broadcast_in_dim3A_658 : vector<16xf32>
        %swap3A_674 = arith.index_cast %add3A_655 : i32 to index
        %swap3A_675 = arith.constant 16 : index
        %swap3A_676 = tpu.vector_load %arg12[%swap3A_674, %swap3A_675] {strides = array<i32>} : memref<80x64xf32, #tpu.memory_space<vmem>>, vector<1x16xf32>,
        %swap3A_677 = vector.shape_cast %swap3A_676 : vector<1x16xf32> to vector<16xf32>
        %swap3A_678 = vector.shape_cast %mul3A_673 : vector<16xf32> to vector<1x16xf32>
        tpu.vector_store %arg12[%swap3A_674, %swap3A_675], %swap3A_678 {strides = array<i32>} : memref<80x64xf32, #tpu.memory_space<vmem>>, vector<1x16xf32>,
        %get3A_679 = arith.index_cast %add3A_655 : i32 to index
        %get3A_680 = arith.constant 32 : index
        %get3A_681 = tpu.vector_load %arg12[%get3A_679, %get3A_680] {strides = array<i32>} : memref<80x64xf32, #tpu.memory_space<vmem>>, vector<1x16xf32>,
        %get3A_682 = vector.shape_cast %get3A_681 : vector<1x16xf32> to vector<16xf32>
        %mul3A_683 = arith.mulf %get3A_682, %broadcast_in_dim3A_658 : vector<16xf32>
        %swap3A_684 = arith.index_cast %add3A_655 : i32 to index
        %swap3A_685 = arith.constant 32 : index
        %swap3A_686 = tpu.vector_load %arg12[%swap3A_684, %swap3A_685] {strides = array<i32>} : memref<80x64xf32, #tpu.memory_space<vmem>>, vector<1x16xf32>,
        %swap3A_687 = vector.shape_cast %swap3A_686 : vector<1x16xf32> to vector<16xf32>
        %swap3A_688 = vector.shape_cast %mul3A_683 : vector<16xf32> to vector<1x16xf32>
        tpu.vector_store %arg12[%swap3A_684, %swap3A_685], %swap3A_688 {strides = array<i32>} : memref<80x64xf32, #tpu.memory_space<vmem>>, vector<1x16xf32>,
        %get3A_689 = arith.index_cast %add3A_655 : i32 to index
        %get3A_690 = arith.constant 48 : index
        %get3A_691 = tpu.vector_load %arg12[%get3A_689, %get3A_690] {strides = array<i32>} : memref<80x64xf32, #tpu.memory_space<vmem>>, vector<1x16xf32>,
        %get3A_692 = vector.shape_cast %get3A_691 : vector<1x16xf32> to vector<16xf32>
        %mul3A_693 = arith.mulf %get3A_692, %broadcast_in_dim3A_658 : vector<16xf32>
        %swap3A_694 = arith.index_cast %add3A_655 : i32 to index
        %swap3A_695 = arith.constant 48 : index
        %swap3A_696 = tpu.vector_load %arg12[%swap3A_694, %swap3A_695] {strides = array<i32>} : memref<80x64xf32, #tpu.memory_space<vmem>>, vector<1x16xf32>,
        %swap3A_697 = vector.shape_cast %swap3A_696 : vector<1x16xf32> to vector<16xf32>
        %swap3A_698 = vector.shape_cast %mul3A_693 : vector<16xf32> to vector<1x16xf32>
        tpu.vector_store %arg12[%swap3A_694, %swap3A_695], %swap3A_698 {strides = array<i32>} : memref<80x64xf32, #tpu.memory_space<vmem>>, vector<1x16xf32>,
        %mul3A_699 = arith.constant 16 : i32
        %mul3A_700 = arith.muli %add3A_40, %mul3A_699 : i32
        %add3A_701 = arith.constant 14 : i32
        %add3A_702 = arith.addi %mul3A_700, %add3A_701 : i32
        %slice3A_703 = vector.extract_strided_slice %get3A_44 {offsets = [14], sizes = [1], strides = [1]} : vector<16xf32> to vector<1xf32>
        %squeeze3A_704 = vector.extract %slice3A_703[0] : f32 from vector<1xf32>
        %broadcast_in_dim3A_705 = vector.broadcast %squeeze3A_704 : f32 to vector<16xf32>
        %get3A_706 = arith.index_cast %add3A_702 : i32 to index
        %get3A_707 = arith.constant 0 : index
        %get3A_708 = tpu.vector_load %arg12[%get3A_706, %get3A_707] {strides = array<i32>} : memref<80x64xf32, #tpu.memory_space<vmem>>, vector<1x16xf32>,
        %get3A_709 = vector.shape_cast %get3A_708 : vector<1x16xf32> to vector<16xf32>
        %mul3A_710 = arith.mulf %get3A_709, %broadcast_in_dim3A_705 : vector<16xf32>
        %swap3A_711 = arith.index_cast %add3A_702 : i32 to index
        %swap3A_712 = arith.constant 0 : index
        %swap3A_713 = tpu.vector_load %arg12[%swap3A_711, %swap3A_712] {strides = array<i32>} : memref<80x64xf32, #tpu.memory_space<vmem>>, vector<1x16xf32>,
        %swap3A_714 = vector.shape_cast %swap3A_713 : vector<1x16xf32> to vector<16xf32>
        %swap3A_715 = vector.shape_cast %mul3A_710 : vector<16xf32> to vector<1x16xf32>
        tpu.vector_store %arg12[%swap3A_711, %swap3A_712], %swap3A_715 {strides = array<i32>} : memref<80x64xf32, #tpu.memory_space<vmem>>, vector<1x16xf32>,
        %get3A_716 = arith.index_cast %add3A_702 : i32 to index
        %get3A_717 = arith.constant 16 : index
        %get3A_718 = tpu.vector_load %arg12[%get3A_716, %get3A_717] {strides = array<i32>} : memref<80x64xf32, #tpu.memory_space<vmem>>, vector<1x16xf32>,
        %get3A_719 = vector.shape_cast %get3A_718 : vector<1x16xf32> to vector<16xf32>
        %mul3A_720 = arith.mulf %get3A_719, %broadcast_in_dim3A_705 : vector<16xf32>
        %swap3A_721 = arith.index_cast %add3A_702 : i32 to index
        %swap3A_722 = arith.constant 16 : index
        %swap3A_723 = tpu.vector_load %arg12[%swap3A_721, %swap3A_722] {strides = array<i32>} : memref<80x64xf32, #tpu.memory_space<vmem>>, vector<1x16xf32>,
        %swap3A_724 = vector.shape_cast %swap3A_723 : vector<1x16xf32> to vector<16xf32>
        %swap3A_725 = vector.shape_cast %mul3A_720 : vector<16xf32> to vector<1x16xf32>
        tpu.vector_store %arg12[%swap3A_721, %swap3A_722], %swap3A_725 {strides = array<i32>} : memref<80x64xf32, #tpu.memory_space<vmem>>, vector<1x16xf32>,
        %get3A_726 = arith.index_cast %add3A_702 : i32 to index
        %get3A_727 = arith.constant 32 : index
        %get3A_728 = tpu.vector_load %arg12[%get3A_726, %get3A_727] {strides = array<i32>} : memref<80x64xf32, #tpu.memory_space<vmem>>, vector<1x16xf32>,
        %get3A_729 = vector.shape_cast %get3A_728 : vector<1x16xf32> to vector<16xf32>
        %mul3A_730 = arith.mulf %get3A_729, %broadcast_in_dim3A_705 : vector<16xf32>
        %swap3A_731 = arith.index_cast %add3A_702 : i32 to index
        %swap3A_732 = arith.constant 32 : index
        %swap3A_733 = tpu.vector_load %arg12[%swap3A_731, %swap3A_732] {strides = array<i32>} : memref<80x64xf32, #tpu.memory_space<vmem>>, vector<1x16xf32>,
        %swap3A_734 = vector.shape_cast %swap3A_733 : vector<1x16xf32> to vector<16xf32>
        %swap3A_735 = vector.shape_cast %mul3A_730 : vector<16xf32> to vector<1x16xf32>
        tpu.vector_store %arg12[%swap3A_731, %swap3A_732], %swap3A_735 {strides = array<i32>} : memref<80x64xf32, #tpu.memory_space<vmem>>, vector<1x16xf32>,
        %get3A_736 = arith.index_cast %add3A_702 : i32 to index
        %get3A_737 = arith.constant 48 : index
        %get3A_738 = tpu.vector_load %arg12[%get3A_736, %get3A_737] {strides = array<i32>} : memref<80x64xf32, #tpu.memory_space<vmem>>, vector<1x16xf32>,
        %get3A_739 = vector.shape_cast %get3A_738 : vector<1x16xf32> to vector<16xf32>
        %mul3A_740 = arith.mulf %get3A_739, %broadcast_in_dim3A_705 : vector<16xf32>
        %swap3A_741 = arith.index_cast %add3A_702 : i32 to index
        %swap3A_742 = arith.constant 48 : index
        %swap3A_743 = tpu.vector_load %arg12[%swap3A_741, %swap3A_742] {strides = array<i32>} : memref<80x64xf32, #tpu.memory_space<vmem>>, vector<1x16xf32>,
        %swap3A_744 = vector.shape_cast %swap3A_743 : vector<1x16xf32> to vector<16xf32>
        %swap3A_745 = vector.shape_cast %mul3A_740 : vector<16xf32> to vector<1x16xf32>
        tpu.vector_store %arg12[%swap3A_741, %swap3A_742], %swap3A_745 {strides = array<i32>} : memref<80x64xf32, #tpu.memory_space<vmem>>, vector<1x16xf32>,
        %mul3A_746 = arith.constant 16 : i32
        %mul3A_747 = arith.muli %add3A_40, %mul3A_746 : i32
        %add3A_748 = arith.constant 15 : i32
        %add3A_749 = arith.addi %mul3A_747, %add3A_748 : i32
        %slice3A_750 = vector.extract_strided_slice %get3A_44 {offsets = [15], sizes = [1], strides = [1]} : vector<16xf32> to vector<1xf32>
        %squeeze3A_751 = vector.extract %slice3A_750[0] : f32 from vector<1xf32>
        %broadcast_in_dim3A_752 = vector.broadcast %squeeze3A_751 : f32 to vector<16xf32>
        %get3A_753 = arith.index_cast %add3A_749 : i32 to index
        %get3A_754 = arith.constant 0 : index
        %get3A_755 = tpu.vector_load %arg12[%get3A_753, %get3A_754] {strides = array<i32>} : memref<80x64xf32, #tpu.memory_space<vmem>>, vector<1x16xf32>,
        %get3A_756 = vector.shape_cast %get3A_755 : vector<1x16xf32> to vector<16xf32>
        %mul3A_757 = arith.mulf %get3A_756, %broadcast_in_dim3A_752 : vector<16xf32>
        %swap3A_758 = arith.index_cast %add3A_749 : i32 to index
        %swap3A_759 = arith.constant 0 : index
        %swap3A_760 = tpu.vector_load %arg12[%swap3A_758, %swap3A_759] {strides = array<i32>} : memref<80x64xf32, #tpu.memory_space<vmem>>, vector<1x16xf32>,
        %swap3A_761 = vector.shape_cast %swap3A_760 : vector<1x16xf32> to vector<16xf32>
        %swap3A_762 = vector.shape_cast %mul3A_757 : vector<16xf32> to vector<1x16xf32>
        tpu.vector_store %arg12[%swap3A_758, %swap3A_759], %swap3A_762 {strides = array<i32>} : memref<80x64xf32, #tpu.memory_space<vmem>>, vector<1x16xf32>,
        %get3A_763 = arith.index_cast %add3A_749 : i32 to index
        %get3A_764 = arith.constant 16 : index
        %get3A_765 = tpu.vector_load %arg12[%get3A_763, %get3A_764] {strides = array<i32>} : memref<80x64xf32, #tpu.memory_space<vmem>>, vector<1x16xf32>,
        %get3A_766 = vector.shape_cast %get3A_765 : vector<1x16xf32> to vector<16xf32>
        %mul3A_767 = arith.mulf %get3A_766, %broadcast_in_dim3A_752 : vector<16xf32>
        %swap3A_768 = arith.index_cast %add3A_749 : i32 to index
        %swap3A_769 = arith.constant 16 : index
        %swap3A_770 = tpu.vector_load %arg12[%swap3A_768, %swap3A_769] {strides = array<i32>} : memref<80x64xf32, #tpu.memory_space<vmem>>, vector<1x16xf32>,
        %swap3A_771 = vector.shape_cast %swap3A_770 : vector<1x16xf32> to vector<16xf32>
        %swap3A_772 = vector.shape_cast %mul3A_767 : vector<16xf32> to vector<1x16xf32>
        tpu.vector_store %arg12[%swap3A_768, %swap3A_769], %swap3A_772 {strides = array<i32>} : memref<80x64xf32, #tpu.memory_space<vmem>>, vector<1x16xf32>,
        %get3A_773 = arith.index_cast %add3A_749 : i32 to index
        %get3A_774 = arith.constant 32 : index
        %get3A_775 = tpu.vector_load %arg12[%get3A_773, %get3A_774] {strides = array<i32>} : memref<80x64xf32, #tpu.memory_space<vmem>>, vector<1x16xf32>,
        %get3A_776 = vector.shape_cast %get3A_775 : vector<1x16xf32> to vector<16xf32>
        %mul3A_777 = arith.mulf %get3A_776, %broadcast_in_dim3A_752 : vector<16xf32>
        %swap3A_778 = arith.index_cast %add3A_749 : i32 to index
        %swap3A_779 = arith.constant 32 : index
        %swap3A_780 = tpu.vector_load %arg12[%swap3A_778, %swap3A_779] {strides = array<i32>} : memref<80x64xf32, #tpu.memory_space<vmem>>, vector<1x16xf32>,
        %swap3A_781 = vector.shape_cast %swap3A_780 : vector<1x16xf32> to vector<16xf32>
        %swap3A_782 = vector.shape_cast %mul3A_777 : vector<16xf32> to vector<1x16xf32>
        tpu.vector_store %arg12[%swap3A_778, %swap3A_779], %swap3A_782 {strides = array<i32>} : memref<80x64xf32, #tpu.memory_space<vmem>>, vector<1x16xf32>,
        %get3A_783 = arith.index_cast %add3A_749 : i32 to index
        %get3A_784 = arith.constant 48 : index
        %get3A_785 = tpu.vector_load %arg12[%get3A_783, %get3A_784] {strides = array<i32>} : memref<80x64xf32, #tpu.memory_space<vmem>>, vector<1x16xf32>,
        %get3A_786 = vector.shape_cast %get3A_785 : vector<1x16xf32> to vector<16xf32>
        %mul3A_787 = arith.mulf %get3A_786, %broadcast_in_dim3A_752 : vector<16xf32>
        %swap3A_788 = arith.index_cast %add3A_749 : i32 to index
        %swap3A_789 = arith.constant 48 : index
        %swap3A_790 = tpu.vector_load %arg12[%swap3A_788, %swap3A_789] {strides = array<i32>} : memref<80x64xf32, #tpu.memory_space<vmem>>, vector<1x16xf32>,
        %swap3A_791 = vector.shape_cast %swap3A_790 : vector<1x16xf32> to vector<16xf32>
        %swap3A_792 = vector.shape_cast %mul3A_787 : vector<16xf32> to vector<1x16xf32>
        tpu.vector_store %arg12[%swap3A_788, %swap3A_789], %swap3A_792 {strides = array<i32>} : memref<80x64xf32, #tpu.memory_space<vmem>>, vector<1x16xf32>,
      }
      %scan3A_35 = arith.constant 5 : i32
      "tpu.region"() ({
        %run_scoped3A = tpu.sem_alloc : memref<!tpu.dma_semaphore, #tpu.memory_space<semaphore_mem>>
        %dma_start3A_36 = arith.constant 0 : i32
        %dma_start3A_37 = arith.constant 0 : i32
        %dma_start3A_38 = tpu.memref_slice %arg13[%dma_start3A_36, %dma_start3A_37] : memref<10112x64xf32, #tpu.memory_space<vmem_shared>> -> memref<10112x64xf32, #tpu.memory_space<vmem_shared>>
        tpu.enqueue_indirect_dma source(%arg12 : memref<80x64xf32, #tpu.memory_space<vmem>>) target(%dma_start3A_38 : memref<10112x64xf32, #tpu.memory_space<vmem_shared>>) offsets(%arg10 : memref<80xi32, #tpu.memory_space<vmem>>) semaphore(%run_scoped3A : memref<!tpu.dma_semaphore, #tpu.memory_space<semaphore_mem>>) {add = true}
        %dma_wait3A_39 = arith.constant 0 : i32
        %dma_wait3A_40 = arith.constant 0 : i32
        %dma_wait3A_41 = tpu.memref_slice %arg13[%dma_wait3A_39, %dma_wait3A_40] : memref<10112x64xf32, #tpu.memory_space<vmem_shared>> -> memref<10112x64xf32, #tpu.memory_space<vmem_shared>>
        tpu.wait_indirect_dma semaphore(%run_scoped3A : memref<!tpu.dma_semaphore, #tpu.memory_space<semaphore_mem>>) src(%arg12 : memref<80x64xf32, #tpu.memory_space<vmem>>) dst(%dma_wait3A_41 : memref<10112x64xf32, #tpu.memory_space<vmem_shared>>)
        tpu.yield
      }) : () -> ()
    }
    %scan3A_11 = arith.constant 250 : i32
    %barrier3A_12 = arith.constant 0 : index
    tpu.barrier barrier_id(%barrier3A_12)
    %mul3A_13 = arith.constant 632 : i32
    %mul3A_14 = arith.muli %arg1, %mul3A_13 : i32
    %mul3A_15 = arith.constant 632 : i32
    %mul3A_16 = arith.muli %arg1, %mul3A_15 : i32
    "tpu.region"() ({
      %run_scoped3A = tpu.sem_alloc : memref<!tpu.dma_semaphore, #tpu.memory_space<semaphore_mem>>
      %dma_start3A = arith.constant 0 : i32
      %dma_start3A_17 = tpu.memref_slice %arg6[%arg0, %mul3A_16, %dma_start3A] : memref<2x10112x64xf32, #tpu.memory_space<hbm>> -> memref<1x632x64xf32, #tpu.memory_space<hbm>>
      %dma_start3A_18 = tpu.memref_squeeze %dma_start3A_17 : memref<1x632x64xf32, #tpu.memory_space<hbm>> -> memref<632x64xf32, #tpu.memory_space<hbm>>
      %dma_start3A_19 = arith.constant 0 : i32
      %dma_start3A_20 = tpu.memref_slice %arg13[%mul3A_14, %dma_start3A_19] : memref<10112x64xf32, #tpu.memory_space<vmem_shared>> -> memref<632x64xf32, #tpu.memory_space<vmem_shared>>
      tpu.enqueue_dma source(%dma_start3A_20 : memref<632x64xf32, #tpu.memory_space<vmem_shared>>) target(%dma_start3A_18 : memref<632x64xf32, #tpu.memory_space<hbm>>) target_semaphore(%run_scoped3A : memref<!tpu.dma_semaphore, #tpu.memory_space<semaphore_mem>>)
      %dma_wait3A = arith.constant 0 : i32
      %dma_wait3A_21 = tpu.memref_slice %arg6[%arg0, %mul3A_16, %dma_wait3A] : memref<2x10112x64xf32, #tpu.memory_space<hbm>> -> memref<1x632x64xf32, #tpu.memory_space<hbm>>
      %dma_wait3A_22 = tpu.memref_squeeze %dma_wait3A_21 : memref<1x632x64xf32, #tpu.memory_space<hbm>> -> memref<632x64xf32, #tpu.memory_space<hbm>>
      %dma_wait3A_23 = arith.constant 0 : i32
      %dma_wait3A_24 = tpu.memref_slice %arg13[%mul3A_14, %dma_wait3A_23] : memref<10112x64xf32, #tpu.memory_space<vmem_shared>> -> memref<632x64xf32, #tpu.memory_space<vmem_shared>>
      tpu.wait_dma2 semaphore(%run_scoped3A : memref<!tpu.dma_semaphore, #tpu.memory_space<semaphore_mem>>) src(%dma_wait3A_24 : memref<632x64xf32, #tpu.memory_space<vmem_shared>>) dst(%dma_wait3A_22 : memref<632x64xf32, #tpu.memory_space<hbm>>)
      tpu.yield
    }) : () -> ()
    return
  }
}

module attributes {stable_mosaic.version = 14 : i64} {
  func.func @_mm_body(%arg0: i32, %arg1: memref<2x2000x64xf32, #tpu.memory_space<vmem>>, %arg2: memref<128x128xf32, #tpu.memory_space<vmem>>, %arg3: memref<1x128xf32, #tpu.memory_space<vmem>>, %arg4: memref<2000x128xf32, #tpu.memory_space<vmem>>) attributes {dimension_semantics = [#tpu.dimension_semantics<arbitrary>], iteration_bounds = array<i64: 5>, scalar_prefetch = 0 : i64, scratch_operands = 0 : i64, tpu.core_type = #tpu.core_type<tc>, window_params = [{transform_indices = @transform_0, window_bounds = array<i64: 2, 2000, 64>}, {pipeline_mode = #tpu.pipeline_mode<synchronous>, transform_indices = @transform_1, window_bounds = array<i64: 128, 128>}, {pipeline_mode = #tpu.pipeline_mode<synchronous>, transform_indices = @transform_2, window_bounds = array<i64: 1, 128>}, {transform_indices = @transform_3, window_bounds = array<i64: 2000, 128>}]} {
    %get3A = arith.constant 0 : index
    %get3A_0 = arith.constant 0 : index
    %get3A_1 = arith.constant 0 : index
    %get3A_2 = vector.load %arg1[%get3A, %get3A_0, %get3A_1] : memref<2x2000x64xf32, #tpu.memory_space<vmem>>, vector<1x2000x64xf32>
    %get3A_3 = vector.shape_cast %get3A_2 : vector<1x2000x64xf32> to vector<2000x64xf32>
    %get3A_4 = arith.constant 0 : index
    %get3A_5 = arith.constant 0 : index
    %get3A_6 = vector.load %arg2[%get3A_4, %get3A_5] : memref<128x128xf32, #tpu.memory_space<vmem>>, vector<64x128xf32>
    %dot_general3A = arith.constant dense<0.000000e+00> : vector<2000x128xf32>
    %dot_general3A_7 = tpu.matmul %get3A_3, %get3A_6, %dot_general3A {dimension_numbers = #tpu.dot_dimension_numbers<[1], [0], [0], [1], [0, 0, 1, 1], [], []>, precision = #tpu.contract_precision<fp32>, transpose_lhs_hint = false} : vector<2000x64xf32>, vector<64x128xf32>, vector<2000x128xf32> -> vector<2000x128xf32>
    %get3A_8 = arith.constant 1 : index
    %get3A_9 = arith.constant 0 : index
    %get3A_10 = arith.constant 0 : index
    %get3A_11 = vector.load %arg1[%get3A_8, %get3A_9, %get3A_10] : memref<2x2000x64xf32, #tpu.memory_space<vmem>>, vector<1x2000x64xf32>
    %get3A_12 = vector.shape_cast %get3A_11 : vector<1x2000x64xf32> to vector<2000x64xf32>
    %get3A_13 = arith.constant 64 : index
    %get3A_14 = arith.constant 0 : index
    %get3A_15 = vector.load %arg2[%get3A_13, %get3A_14] : memref<128x128xf32, #tpu.memory_space<vmem>>, vector<64x128xf32>
    %dot_general3A_16 = arith.constant dense<0.000000e+00> : vector<2000x128xf32>
    %dot_general3A_17 = tpu.matmul %get3A_12, %get3A_15, %dot_general3A_16 {dimension_numbers = #tpu.dot_dimension_numbers<[1], [0], [0], [1], [0, 0, 1, 1], [], []>, precision = #tpu.contract_precision<fp32>, transpose_lhs_hint = false} : vector<2000x64xf32>, vector<64x128xf32>, vector<2000x128xf32> -> vector<2000x128xf32>
    %add3A = arith.addf %dot_general3A_7, %dot_general3A_17 : vector<2000x128xf32>
    %get3A_18 = arith.constant 0 : index
    %get3A_19 = arith.constant 0 : index
    %get3A_20 = vector.load %arg3[%get3A_18, %get3A_19] : memref<1x128xf32, #tpu.memory_space<vmem>>, vector<1x128xf32>
    %add3A_21 = vector.broadcast %get3A_20 : vector<1x128xf32> to vector<2000x128xf32>
    %add3A_22 = arith.addf %add3A, %add3A_21 : vector<2000x128xf32>
    %swap3A = arith.constant 0 : index
    %swap3A_23 = arith.constant 0 : index
    %swap3A_24 = vector.load %arg4[%swap3A, %swap3A_23] : memref<2000x128xf32, #tpu.memory_space<vmem>>, vector<2000x128xf32>
    tpu.vector_store %arg4[%swap3A, %swap3A_23], %add3A_22 {strides = array<i32>} : memref<2000x128xf32, #tpu.memory_space<vmem>>, vector<2000x128xf32>,
    return
  }
  func.func @transform_0(%arg0: i32) -> (i32, i32, i32) {
    %c0_i32 = arith.constant 0 : i32
    %c0_i32_0 = arith.constant 0 : i32
    %c0_i32_1 = arith.constant 0 : i32
    return %c0_i32, %arg0, %c0_i32_0 : i32, i32, i32
  }
  func.func @transform_1(%arg0: i32) -> (i32, i32) {
    %c0_i32 = arith.constant 0 : i32
    %c0_i32_0 = arith.constant 0 : i32
    %c0_i32_1 = arith.constant 0 : i32
    return %c0_i32, %c0_i32_0 : i32, i32
  }
  func.func @transform_2(%arg0: i32) -> (i32, i32) {
    %c0_i32 = arith.constant 0 : i32
    %c0_i32_0 = arith.constant 0 : i32
    %c0_i32_1 = arith.constant 0 : i32
    return %c0_i32, %c0_i32_0 : i32, i32
  }
  func.func @transform_3(%arg0: i32) -> (i32, i32) {
    %c0_i32 = arith.constant 0 : i32
    %c0_i32_0 = arith.constant 0 : i32
    return %arg0, %c0_i32 : i32, i32
  }
}

</mosaic_0001>

<sc_bundles>
// kernel: kernel.4.cloned.1.call-start
scs
__scs_entry_jumppad:
0x0: {  	(pc) =	sbr.rel $0x88, $3  }
0x1: {  	(tag) =	ssettag $0x0;
	lr =	simm.s32 $0x1  }
0x2: {  	[smem:$0x3F9C] =	sst lr;
	_ =	strace $0xD0000000  }
0x3: {  	_ = 	snop  }
0x4: {  	_ = 	snop  }
0x5: {  	_ = 	snop  }
0x6: {  	_ = 	snop  }
0x7: {  	_ = 	snop  }
__scs_overlays_trampoline_lowered:
0x8: {  	[smem:$0x3FAB] =	sst s0  }
0x9: {  	[smem:$0x3FAC] =	sst s1  }
0xa: {  	[smem:$0x3FAD] =	sst s2  }
0xb: {  	[smem:$0x3FAE] =	sst s3  }
0xc: {  	[smem:$0x3FAF] =	sst s4  }
0xd: {  	[smem:$0x3FB0] =	sst s5  }
0xe: {  	[smem:$0x3FB1] =	sst s6  }
0xf: {  	[smem:$0x3FB2] =	sst s7  }
0x10: {  	[smem:$0x3FB3] =	sst s8  }
0x11: {  	[smem:$0x3FB4] =	sst s9;
	s0 =	simm.s32 @!p0 $0x0  }
0x12: {  	s1 =	sld [smem:$0x3F9A];
	s0 =	simm.s32 @p0 $0x1  }
0x13: {  	[smem:$0x3FB5] =	sst s0;
	s0 =	simm.s32 @!p1 $0x0  }
0x14: {  	s2 =	sld [smem:$0x3F99];
	s0 =	simm.s32 @p1 $0x1  }
0x15: {  	[smem:$0x3FB6] =	sst s0;
	s0 =	simm.s32 @!p2 $0x0  }
0x16: {  	s3 =	sld [smem:$0x3FDB];
	s0 =	simm.s32 @p2 $0x1  }
0x17: {  	s4 =	simm.s32 $0x1BF5;
	[smem:$0x3FB8] =	sst s0  }
0x18: {  	s0 =	sld [smem:$0x3F9B];
	_ =	swait.ge [sflag:s4], $0x0  }
0x19: {  	s7 =	sld [smem:$0x3F9C]  }
0x1a: {  	s8 =	sadd.s32 $0xFFFFE003, lr  }
0x1b: {  	s9 =	sadd.s32 $0xFFFFFEF7, lr;
	s5 =	simm.s32 $0xFFFFFFFF;
	p2 =	slt.u32 s8, $0xFFFFF086  }
0x1c: {  	p1 =	slt.u32 s9, $0xF7A;
	s5 =	simm.s32 @!p2 $0x0  }
0x1d: {  	s5 =	simm.s32 @p1 $0x1;
	p0 =	seq.s32 s7, s2  }
0x1e: {  	s7 =	smul.u32 @!p0 $0xF7A, s2;
	p2 =	seq.s32 @!p0 s5, $0x0  }
0x1f: {  	s9 =	smul.u32 $0xF7A, s1;
	s8 =	simm.s32 @!p0 $0x1BF5;
	p2 =	por !p2, p0  }
0x20: {  	[sflag:s8] =	ssyncset.s32 @!p0 $0xFFFFF086;
	s6 =	sadd.s32 @!p0 s3, s7;
	s7 =	simm.s32 @!p0 $0x108  }
0x21: {  	s3 =	sadd.s32 s3, s9;
	s6 =	sadd.s32 @!p0 $0x88, s6;
	s7 =	simm.s32 @p2 $0x1082  }
0x22: {  	[simem:s7], [sflag:s8] =	dma.local @!p0 [hbm:s6], $0xF7A  }
0x23: {  	s9 =	sor.u32 $0xD0000000, s2;
	s6 =	simm.s32 $0x108;
	_ =	swait.ge @!p0 [sflag:s8], $0x0  }
0x24: {  	s3 =	sadd.s32 $0x88, s3;
	s6 =	simm.s32 @!p1 $0x1082;
	[sflag:s4] =	ssyncset.s32 $0xFFFFF086  }
0x25: {  	[simem:s6], [sflag:s4] =	dma.local [hbm:s3], $0xF7A  }
0x26: {  	[smem:$0x3F9C] =	sst s1;
	(tag) =	ssettag s2;
	_ =	strace s9  }
0x27: {  	s1 =	sld [smem:$0x3FAC]  }
0x28: {  	s2 =	sld [smem:$0x3FAD]  }
0x29: {  	s4 =	sld [smem:$0x3FAF]  }
0x2a: {  	p0 =	seq.s32 s5, $0x0;
	s5 =	sld [smem:$0x3FB0]  }
0x2b: {  	s6 =	sld [smem:$0x3FB1]  }
0x2c: {  	s7 =	sld [smem:$0x3FB2]  }
0x2d: {  	s3 =	simm.s32 $0x108;
	s8 =	sld [smem:$0x3FB3]  }
0x2e: {  	s3 =	simm.s32 @!p0 $0x1082;
	s9 =	sld [smem:$0x3FB4]  }
0x2f: {  	lr =	sadd.s32 s0, s3;
	s0 =	sld [smem:$0x3FAB]  }
0x30: {  	s3 =	sld [smem:$0x3FAE]  }
0x31: {  	[smem:$0x3FB7] =	sst s10  }
0x32: {  	s10 =	sld [smem:$0x3FB5];
	_ =	sdelay $0x3  }
0x33: {  	p0 =	seq.s32 s10, $0x1;
	s10 =	sld [smem:$0x3FB7];
	_ =	sdelay $0x3  }
0x34: {  	[smem:$0x3FB7] =	sst s10  }
0x35: {  	s10 =	sld [smem:$0x3FB6];
	_ =	sdelay $0x3  }
0x36: {  	p1 =	seq.s32 s10, $0x1;
	s10 =	sld [smem:$0x3FB7];
	_ =	sdelay $0x3  }
0x37: {  	[smem:$0x3FB7] =	sst s10  }
0x38: {  	s10 =	sld [smem:$0x3FB8]  }
0x39: {  	_ = 	snop;
	(pc) =	sbr.ind lr, $3  }
0x3a: {  	_ = 	snop  }
0x3b: {  	_ = 	snop  }
0x3c: {  	p2 =	seq.s32 s10, $0x1;
	s10 =	sld [smem:$0x3FB7]  }
0x3d: {  	_ =	shalt  }
0x3e: {  	_ =	shalt  }
0x3f: {  	_ =	shalt  }
0x40: {  	_ =	shalt  }
0x41: {  	_ =	shalt  }
0x42: {  	_ =	shalt  }
0x43: {  	_ =	shalt  }
0x44: {  	_ =	shalt  }
0x45: {  	_ =	shalt  }
0x46: {  	_ =	shalt  }
0x47: {  	_ =	shalt  }
0x48: {  	_ =	shalt  }
0x49: {  	_ =	shalt  }
0x4a: {  	_ =	shalt  }
0x4b: {  	_ =	shalt  }
0x4c: {  	_ =	shalt  }
0x4d: {  	_ =	shalt  }
0x4e: {  	_ =	shalt  }
0x4f: {  	_ =	shalt  }
0x50: {  	_ =	shalt  }
0x51: {  	_ =	shalt  }
0x52: {  	_ =	shalt  }
0x53: {  	_ =	shalt  }
0x54: {  	_ =	shalt  }
0x55: {  	_ =	shalt  }
0x56: {  	_ =	shalt  }
0x57: {  	_ =	shalt  }
0x58: {  	_ =	shalt  }
0x59: {  	_ =	shalt  }
0x5a: {  	_ =	shalt  }
0x5b: {  	_ =	shalt  }
0x5c: {  	_ =	shalt  }
0x5d: {  	_ =	shalt  }
0x5e: {  	_ =	shalt  }
0x5f: {  	_ =	shalt  }
0x60: {  	_ =	shalt  }
0x61: {  	_ =	shalt  }
0x62: {  	_ =	shalt  }
0x63: {  	_ =	shalt  }
0x64: {  	_ =	shalt  }
0x65: {  	_ =	shalt  }
0x66: {  	_ =	shalt  }
0x67: {  	_ =	shalt  }
0x68: {  	_ =	shalt  }
0x69: {  	_ =	shalt  }
0x6a: {  	_ =	shalt  }
0x6b: {  	_ =	shalt  }
0x6c: {  	_ =	shalt  }
0x6d: {  	_ =	shalt  }
0x6e: {  	_ =	shalt  }
0x6f: {  	_ =	shalt  }
0x70: {  	_ =	shalt  }
0x71: {  	_ =	shalt  }
0x72: {  	_ =	shalt  }
0x73: {  	_ =	shalt  }
0x74: {  	_ =	shalt  }
0x75: {  	_ =	shalt  }
0x76: {  	_ =	shalt  }
0x77: {  	_ =	shalt  }
0x78: {  	_ =	shalt  }
0x79: {  	_ =	shalt  }
0x7a: {  	_ =	shalt  }
0x7b: {  	_ =	shalt  }
0x7c: {  	_ =	shalt  }
0x7d: {  	_ =	shalt  }
0x7e: {  	_ =	shalt  }
0x7f: {  	_ =	shalt  }
0x80: {  	_ =	shalt  }
0x81: {  	_ =	shalt  }
0x82: {  	_ =	shalt  }
0x83: {  	_ =	shalt  }
0x84: {  	_ =	shalt  }
0x85: {  	_ =	shalt  }
0x86: {  	_ =	shalt  }
0x87: {  	_ =	shalt  }
.Lfunc_end0:
.L_simem_size_0:
called_computation_lowered:
.L_overlay_start_0:
0x88: {  	s2 =	sld [smem:$0x3FD9]  }
0x89: {  	s3 =	sld [smem:$0x3FFE];
	_ =	sdelay $0x1  }
0x8a: {  	s1 =	srdreg.scid  }
0x8b: {  	s0 =	sand.u32 $0x1, s1  }
0x8c: {  	s17 =	sshll.u32 s0, $0xA;
	s2 =	sadd.s32 s3, s2  }
0x8d: {  	s2 =	sadd.s32 s2, s17  }
0x8e: {  	[smem:$0x3FC3] =	sst s2  }
0x8f: {  	_ = 	snop  }
0x90: {  	s2 =	sld [smem:$0x3FC9]  }
0x91: {  	s18 =	sld [smem:$0x3FC7]  }
0x92: {  	s4 =	sld [smem:$0x3FD0];
	(tm) =	ssettm $0x1  }
0x93: {  	s5 =	sld [smem:$0x3FFB];
	_ =	sdelay $0x3  }
0x94: {  	_ =	strace s5  }
0x95: {  	s5 =	sld [smem:$0x3FFC];
	_ =	sdelay $0x3  }
0x96: {  	_ =	strace s5  }
0x97: {  	s5 =	sld [smem:$0x3FFD];
	_ =	sdelay $0x3  }
0x98: {  	_ =	strace s5  }
0x99: {  	_ =	strace $0x8FFFFFFF  }
0x9a: {  	s19 =	sld [smem:$0x3FDB];
	_ =	sdelay $0x1  }
0x9b: {  	s6 =	simm.s32 $_scs_section_size  }
0x9c: {  	s7 =	simm.s32 $_size__tile_overlayer_lowered;
	s8 =	simm.s32 $_tile_overlayer_lowered  }
0x9d: {  	s22 =	simm.s32 $0x1BFF;
	s21 =	sshll.u32 s8, $0x1;
	s5 =	sadd.s32 s6, s19  }
0x9e: {  	s9 =	simm.s32 $0x0;
	s20 =	sshll.u32 s7, $0x1;
	s7 =	sadd.s32 s21, s5  }
0x9f: {  	[timem:s9], [sflag:s22] =	dma.local [hbm:s7], s20  }
0xa0: {  	_ =	swait.ge [sflag:s22], s20  }
0xa1: {  	s6 =	ssub.s32 $0x0, s20;
	[sflag:s22] =	ssyncset.done $0x0  }
0xa2: {  	[sflag:s22] =	ssyncadd.s32 s6;
	_ =	sdelay $0x1  }
0xa3: {  	s23 =	simm.s32 $0x1B8B  }
0xa4: {  	_ =	swait.ge [sflag:s23], $0x1  }
0xa5: {  	[sflag:s23] =	ssyncset.done $0x0  }
0xa6: {  	s25 =	simm.s32 $0x1B8E;
	s24 =	sld [smem:$0x3FFE];
	[sflag:s23] =	ssyncadd.s32 $0xFFFFFFFF  }
0xa7: {  	s26 =	simm.s32 $execute0_lowered;
	[smem:$0x3FD2] =	sst s25  }
0xa8: {  	s7 =	sshll.u32 s26, $0x1;
	_ =	strace $0x80000046;
	[dreg:$0x1] =	wrdreg $0xFFFFFFFF  }
0xa9: {  	s28 =	simm.s32 $_size_execute0_lowered;
	s5 =	sadd.s32 s5, s7;
	[dreg:$0x0] =	wrdreg $0x0  }
0xaa: {  	s7 =	sshll.u32 s28, $0x1;
	[dreg:$0x2] =	wrdreg s5  }
0xab: {  	[dreg:$0x3] =	wrdreg s7  }
0xac: {  	[dreg:$0x4] =	wrdreg $0xC0  }
0xad: {  	_ =	task [dreg:s9], $0x5FFFF  }
0xae: {  	[dreg:$0x1] =	wrdreg $0xFFFFFFFF  }
0xaf: {  	[dreg:$0x0] =	wrdreg $0x60  }
0xb0: {  	[dreg:$0x2] =	wrdreg s2  }
0xb1: {  	[dreg:$0x3] =	wrdreg s24  }
0xb2: {  	[dreg:$0x4] =	wrdreg s4  }
0xb3: {  	[dreg:$0x5] =	wrdreg s18  }
0xb4: {  	[dreg:$0x6] =	wrdreg $0xB3400  }
0xb5: {  	[dreg:$0x7] =	wrdreg $0x9  }
0xb6: {  	_ =	task.clear_ibuf [dreg:s9], $0x8FFFF;
	_ =	strace $0x90000046  }
0xb7: {  	s29 =	simm.s32 $0x9;
	_ =	strace $0x80000048  }
0xb8: {  	_ =	swait.ge [sflag:s29], $0x1  }
0xb9: {  	[sflag:s29] =	ssyncadd.s32 $0xFFFFFFFF  }
0xba: {  	_ =	strace $0x90000048  }
0xbb: {  	_ =	sfence  }
0xbc: {  	s30 =	sld [smem:$0x0];
	_ =	sdelay $0x2  }
0xbd: {  	s31 =	sshll.u32 s1, $0xD;
	s1 =	sshrl.u32 s1, $0x2  }
0xbe: {  	s3 =	sand.u32 $0x4000, s31;
	s1 =	sadd.s32 s1, s30  }
0xbf: {  	s0 =	sor.u32 s3, s0;
	s1 =	sshll.u32 s1, $0x11  }
0xc0: {  	s0 =	sor.u32 s1, s0  }
0xc1: {  	s0 =	sadd.s32 $0x8F2B, s0  }
0xc2: {  	[sflag:s0] =	ssyncadd.remote.s32 $0x1  }
0xc3: {  	_ =	sfence.sel $0xFFFF  }
0xc4: {  	[dreg:$0x0] =	wrdreg $0xFFFFFFFF;
	(pc) =	sbr.abs _section_cstart, $3  }
0xc5: {  	[dreg:$0x1] =	wrdreg $0xFFFFFFFF  }
0xc6: {  	_ =	task.clear_ibuf [dreg:s9], $0x2FFFF;
	_ =	strace $0x9FFFFFFF  }
0xc7: {  	(tm) =	ssettm $0x7FFFFFFF  }
tec
execute0_lowered:
.L_overlay_start_1:
0x0: {  	(tag) =	ssettag $0x1  }
0x1: {  	s1 =	rddreg [dreg:$0x0]  }
0x2: {  	s2 =	rddreg [dreg:$0x1]  }
0x3: {  	s3 =	rddreg [dreg:$0x2]  }
0x4: {  	s4 =	srdreg.scid;
	s5 =	rddreg [dreg:$0x3]  }
0x5: {  	s0 =	stileid.u32;
	s6 =	rddreg [dreg:$0x4];
	s7 =	simm.s32 $0x0  }
0x6: {  	s13 =	simm.s32 $0x9E00;
	s14 =	simm.s32 $0x9EA0;
	s15 =	simm.s32 $0x9EF0  }
0x7: {  	s16 =	simm.s32 $0x50;
	s17 =	simm.s32 $0x9E50;
	s18 =	simm.s32 $0x9F40  }
0x8: {  	s19 =	sand.u32 $0x1, s4;
	s8 =	smul.u32 $0x9E00, s0;
	s4 =	rddreg [dreg:$0x5]  }
0x9: {  	[smem:$0x7FF] =	sst s7;
	s20 =	sshll.u32 s0, $0x6;
	s9 =	smul.u32 $0x9E000, s19  }
0xa: {  	s10 =	ssub.s32 $0x2, s19;
	_ =	strace $0x80000047;
	v0 =	vmov s19;
	s19 =	simm.s32 $0x1  }
0xb: {  	s20 =	sor.u32 $0x1C02, s20;
	s11 =	sshrl.u32 s10, $0x1;
	s9 =	sadd.s32 s8, s9  }
0xc: {  	s11 =	ssub.s32 s10, s11;
	s8 =	sadd.s32 s8, s6;
	s9 =	sshrl.u32 s9, $0x3  }
0xd: {  	s11 =	smax.u32 s11, $0x1;
	s21 =	sshrl.u32 s8, $0x3;
	s12 =	sadd.s32 s9, s2  }
0xe: {  	v1 =	vimm.f32 $0.0e+00;
	s9 =	smul.u32 $0x4E20, s0;
	s10 =	sadd.s32 $0x9E00, s12;
	s12 =	simm.s32 $0x2  }
.LBB2_1:
0xf: {  	s23 =	simm.s32 $0x100;
	s22 =	simm.s32 $0x0  }
.LBB2_2:
0x10: {  	p0 =	sne.s32 s23, $0x27700;
	[tilespmem:s22+$0x30] =	vst v1;
	s24 =	smov.u32 s23;
	s23 =	sadd.s32 $0x100, s23  }
.Ltmp0:
0x11: {  	[tilespmem:s22+$0x20] =	vst v1;
	(pc) =	sbr.rel @p0 .LBB2_2-.Ltmp0, $3  }
0x12: {  	[tilespmem:s22+$0x0] =	vst v1  }
0x13: {  	[tilespmem:s22+$0x10] =	vst v1;
	_ =	sdelay $0x1  }
0x14: {  	s22 =	sshra.s32 s24, $0x2  }
0x15: {  	[tilespmem:s22+$0x30] =	vst v1  }
0x16: {  	[tilespmem:s22+$0x20] =	vst v1  }
0x17: {  	[tilespmem:s22+$0x0] =	vst v1  }
0x18: {  	[tilespmem:s22+$0x10] =	vst v1;
	s22 =	simm.s32 $0x0  }
0x19: {  	[spmem:s8] =	stream.linear.scatter [tilespmem:s22], [sflag:$0x2], $0x9E00, $0x38;
	[tilespmem:$0x15140] =	vst v63  }
0x1a: {  	_ =	swait.ge [sflag:s12], $0x9E00  }
0x1b: {  	[sflag:s12] =	ssyncset.done $0x0  }
0x1c: {  	[sflag:s12] =	ssyncadd.s32 $0xFFFF6200  }
0x1d: {  	s23 =	simm.s32 $0x0;
	[bflag:$0x0] =	sbarrier.arrive $0xFFFF  }
.LBB2_4:
0x1e: {  	s24 =	smul.u32 $0x50, s23;
	_ =	sdelay $0x1  }
0x1f: {  	s24 =	sadd.s32 s9, s24  }
0x20: {  	s24 =	sshrl.u32 s24, $0x3  }
0x21: {  	s25 =	sadd.s32 s2, s24  }
0x22: {  	[tilespmem:s13], [sflag:$0x2] =	stream.linear.gather [hbm4b:s25+s22], $0x50, $0x38;
	[tilespmem:$0x15140] =	vst v63  }
0x23: {  	_ =	swait.ge [sflag:s12], $0x50  }
0x24: {  	[sflag:s12] =	ssyncset.done $0x0  }
0x25: {  	s31 =	sadd.s32 s3, s24;
	[sflag:s12] =	ssyncadd.s32 $0xFFFFFFB0  }
0x26: {  	[tilespmem:s14], [sflag:$0x2] =	stream.linear.gather [hbm4b:s31+s22], $0x50, $0x38;
	[tilespmem:$0x15140] =	vst v63  }
0x27: {  	_ =	swait.ge [sflag:s12], $0x50  }
0x28: {  	[sflag:s12] =	ssyncset.done $0x0  }
0x29: {  	s24 =	sadd.s32 s5, s24;
	[sflag:s12] =	ssyncadd.s32 $0xFFFFFFB0  }
0x2a: {  	[tilespmem:s15], [sflag:$0x2] =	stream.linear.gather [hbm4b:s24+s22], $0x50, $0x38;
	[tilespmem:$0x15140] =	vst v63  }
0x2b: {  	_ =	swait.ge [sflag:s12], $0x50  }
0x2c: {  	[sflag:s12] =	ssyncset.done $0x0  }
0x2d: {  	[sflag:s12] =	ssyncadd.s32 $0xFFFFFFB0  }
0x2e: {  	v2 =	vld [tilespmem:$0x9E00]  }
0x2f: {  	v3 =	vld [tilespmem:$0x9E10]  }
0x30: {  	v4 =	vld [tilespmem:$0x9E20]  }
0x31: {  	v5 =	vld [tilespmem:$0x9E30]  }
0x32: {  	v6 =	vld [tilespmem:$0x9E40]  }
0x33: {  	v2 =	vshll.u32 v2, $0x1  }
0x34: {  	v3 =	vshll.u32 v3, $0x1;
	v2 =	vor.u32 v0, v2  }
0x35: {  	[tilespmem:$0x9E50] =	vst v2;
	v2 =	vor.u32 v0, v3;
	v3 =	vshll.u32 v4, $0x1  }
0x36: {  	[tilespmem:$0x9E60] =	vst v2;
	v2 =	vor.u32 v0, v3;
	v3 =	vshll.u32 v5, $0x1  }
0x37: {  	[tilespmem:$0x9E70] =	vst v2;
	v2 =	vor.u32 v0, v3;
	v3 =	vshll.u32 v6, $0x1  }
0x38: {  	[tilespmem:$0x9E80] =	vst v2;
	v2 =	vor.u32 v0, v3  }
0x39: {  	[tilespmem:$0x9E90] =	vst v2  }
0x3a: {  	[tilespmem:s18], [sflag:$0x1] =	stream.indirect.gather [hbm4b:s1+s16], $0x40, s17, s16, $0xb8;
	[tilespmem:$0x15140] =	vst v63  }
0x3b: {  	_ =	swait.ge [sflag:s19], $0x1400  }
0x3c: {  	[sflag:s19] =	ssyncset.done $0x0  }
0x3d: {  	s25 =	simm.s32 $0x0;
	s24 =	simm.s32 $0xA140;
	[sflag:s19] =	ssyncadd.s32 $0xFFFFEC00  }
.LBB2_5:
0x3e: {  	s26 =	sshra.s32 s25, $0x2  }
0x3f: {  	v2 =	vld [tilespmem:s26+$0x9EF0];
	_ =	sdelay $0x1  }
0x40: {  	v3 =	vld [tilespmem:s24+$0xFFFFFE00];
	_ =	sdelay $0x2  }
0x41: {  	v4 =	vbroadcast v2, $0x0;
	_ =	sdelay $0x1  }
0x42: {  	v3 =	vmul.f32 v4, v3;
	_ =	sdelay $0x1  }
0x43: {  	[tilespmem:s24+$0xFFFFFE00] =	vst v3;
	v3 =	vld [tilespmem:s24+$0xFFFFFE10];
	_ =	sdelay $0x4  }
0x44: {  	v3 =	vmul.f32 v3, v4;
	_ =	sdelay $0x1  }
0x45: {  	[tilespmem:s24+$0xFFFFFE10] =	vst v3;
	v3 =	vld [tilespmem:s24+$0xFFFFFE20];
	_ =	sdelay $0x4  }
0x46: {  	v3 =	vmul.f32 v3, v4;
	_ =	sdelay $0x1  }
0x47: {  	[tilespmem:s24+$0xFFFFFE20] =	vst v3;
	v3 =	vld [tilespmem:s24+$0xFFFFFE30];
	_ =	sdelay $0x4  }
0x48: {  	v3 =	vmul.f32 v3, v4;
	_ =	sdelay $0x1  }
0x49: {  	[tilespmem:s24+$0xFFFFFE30] =	vst v3;
	v3 =	vld [tilespmem:s24+$0xFFFFFE40];
	_ =	sdelay $0x2  }
0x4a: {  	v50 =	vbroadcast v2, $0x1;
	_ =	sdelay $0x1  }
0x4b: {  	v3 =	vmul.f32 v3, v50;
	_ =	sdelay $0x1  }
0x4c: {  	[tilespmem:s24+$0xFFFFFE40] =	vst v3;
	v3 =	vld [tilespmem:s24+$0xFFFFFE50];
	_ =	sdelay $0x4  }
0x4d: {  	v3 =	vmul.f32 v3, v50;
	_ =	sdelay $0x1  }
0x4e: {  	[tilespmem:s24+$0xFFFFFE50] =	vst v3;
	v3 =	vld [tilespmem:s24+$0xFFFFFE60];
	_ =	sdelay $0x4  }
0x4f: {  	v3 =	vmul.f32 v3, v50;
	_ =	sdelay $0x1  }
0x50: {  	[tilespmem:s24+$0xFFFFFE60] =	vst v3;
	v3 =	vld [tilespmem:s24+$0xFFFFFE70];
	_ =	sdelay $0x4  }
0x51: {  	v3 =	vmul.f32 v3, v50;
	_ =	sdelay $0x1  }
0x52: {  	[tilespmem:s24+$0xFFFFFE70] =	vst v3;
	v3 =	vld [tilespmem:s24+$0xFFFFFE80];
	_ =	sdelay $0x2  }
0x53: {  	v51 =	vbroadcast v2, $0x2;
	_ =	sdelay $0x1  }
0x54: {  	v3 =	vmul.f32 v3, v51;
	_ =	sdelay $0x1  }
0x55: {  	[tilespmem:s24+$0xFFFFFE80] =	vst v3;
	v3 =	vld [tilespmem:s24+$0xFFFFFE90];
	_ =	sdelay $0x4  }
0x56: {  	v3 =	vmul.f32 v3, v51;
	_ =	sdelay $0x1  }
0x57: {  	[tilespmem:s24+$0xFFFFFE90] =	vst v3;
	v3 =	vld [tilespmem:s24+$0xFFFFFEA0];
	_ =	sdelay $0x4  }
0x58: {  	v3 =	vmul.f32 v3, v51;
	_ =	sdelay $0x1  }
0x59: {  	[tilespmem:s24+$0xFFFFFEA0] =	vst v3;
	v3 =	vld [tilespmem:s24+$0xFFFFFEB0];
	_ =	sdelay $0x4  }
0x5a: {  	v3 =	vmul.f32 v3, v51;
	_ =	sdelay $0x1  }
0x5b: {  	[tilespmem:s24+$0xFFFFFEB0] =	vst v3;
	v3 =	vld [tilespmem:s24+$0xFFFFFEC0];
	_ =	sdelay $0x2  }
0x5c: {  	v52 =	vbroadcast v2, $0x3;
	_ =	sdelay $0x1  }
0x5d: {  	v3 =	vmul.f32 v3, v52;
	_ =	sdelay $0x1  }
0x5e: {  	[tilespmem:s24+$0xFFFFFEC0] =	vst v3;
	v3 =	vld [tilespmem:s24+$0xFFFFFED0];
	_ =	sdelay $0x4  }
0x5f: {  	v3 =	vmul.f32 v3, v52;
	_ =	sdelay $0x1  }
0x60: {  	[tilespmem:s24+$0xFFFFFED0] =	vst v3;
	v3 =	vld [tilespmem:s24+$0xFFFFFEE0];
	_ =	sdelay $0x4  }
0x61: {  	v3 =	vmul.f32 v3, v52;
	_ =	sdelay $0x1  }
0x62: {  	[tilespmem:s24+$0xFFFFFEE0] =	vst v3;
	v3 =	vld [tilespmem:s24+$0xFFFFFEF0];
	_ =	sdelay $0x4  }
0x63: {  	v3 =	vmul.f32 v3, v52;
	_ =	sdelay $0x1  }
0x64: {  	[tilespmem:s24+$0xFFFFFEF0] =	vst v3;
	v3 =	vld [tilespmem:s24+$0xFFFFFF00];
	_ =	sdelay $0x2  }
0x65: {  	v53 =	vbroadcast v2, $0x4;
	_ =	sdelay $0x1  }
0x66: {  	v3 =	vmul.f32 v3, v53;
	_ =	sdelay $0x1  }
0x67: {  	[tilespmem:s24+$0xFFFFFF00] =	vst v3;
	v3 =	vld [tilespmem:s24+$0xFFFFFF10];
	_ =	sdelay $0x4  }
0x68: {  	v3 =	vmul.f32 v3, v53;
	_ =	sdelay $0x1  }
0x69: {  	[tilespmem:s24+$0xFFFFFF10] =	vst v3;
	v3 =	vld [tilespmem:s24+$0xFFFFFF20];
	_ =	sdelay $0x4  }
0x6a: {  	v3 =	vmul.f32 v3, v53;
	_ =	sdelay $0x1  }
0x6b: {  	[tilespmem:s24+$0xFFFFFF20] =	vst v3;
	v3 =	vld [tilespmem:s24+$0xFFFFFF30];
	_ =	sdelay $0x4  }
0x6c: {  	v3 =	vmul.f32 v3, v53;
	_ =	sdelay $0x1  }
0x6d: {  	[tilespmem:s24+$0xFFFFFF30] =	vst v3;
	v3 =	vld [tilespmem:s24+$0xFFFFFF40];
	_ =	sdelay $0x2  }
0x6e: {  	v54 =	vbroadcast v2, $0x5;
	_ =	sdelay $0x1  }
0x6f: {  	v3 =	vmul.f32 v3, v54;
	_ =	sdelay $0x1  }
0x70: {  	[tilespmem:s24+$0xFFFFFF40] =	vst v3;
	v3 =	vld [tilespmem:s24+$0xFFFFFF50];
	_ =	sdelay $0x4  }
0x71: {  	v3 =	vmul.f32 v3, v54;
	_ =	sdelay $0x1  }
0x72: {  	[tilespmem:s24+$0xFFFFFF50] =	vst v3;
	v3 =	vld [tilespmem:s24+$0xFFFFFF60];
	_ =	sdelay $0x4  }
0x73: {  	v3 =	vmul.f32 v3, v54;
	_ =	sdelay $0x1  }
0x74: {  	[tilespmem:s24+$0xFFFFFF60] =	vst v3;
	v3 =	vld [tilespmem:s24+$0xFFFFFF70];
	_ =	sdelay $0x4  }
0x75: {  	v3 =	vmul.f32 v3, v54;
	_ =	sdelay $0x1  }
0x76: {  	[tilespmem:s24+$0xFFFFFF70] =	vst v3;
	v3 =	vld [tilespmem:s24+$0xFFFFFF80];
	_ =	sdelay $0x2  }
0x77: {  	v55 =	vbroadcast v2, $0x6;
	_ =	sdelay $0x1  }
0x78: {  	v3 =	vmul.f32 v3, v55;
	_ =	sdelay $0x1  }
0x79: {  	[tilespmem:s24+$0xFFFFFF80] =	vst v3;
	v3 =	vld [tilespmem:s24+$0xFFFFFF90];
	_ =	sdelay $0x4  }
0x7a: {  	v3 =	vmul.f32 v3, v55;
	_ =	sdelay $0x1  }
0x7b: {  	[tilespmem:s24+$0xFFFFFF90] =	vst v3;
	v3 =	vld [tilespmem:s24+$0xFFFFFFA0];
	_ =	sdelay $0x4  }
0x7c: {  	v3 =	vmul.f32 v3, v55;
	_ =	sdelay $0x1  }
0x7d: {  	[tilespmem:s24+$0xFFFFFFA0] =	vst v3;
	v3 =	vld [tilespmem:s24+$0xFFFFFFB0];
	_ =	sdelay $0x4  }
0x7e: {  	v3 =	vmul.f32 v3, v55;
	_ =	sdelay $0x1  }
0x7f: {  	[tilespmem:s24+$0xFFFFFFB0] =	vst v3;
	v3 =	vld [tilespmem:s24+$0xFFFFFFC0];
	_ =	sdelay $0x2  }
0x80: {  	v56 =	vbroadcast v2, $0x7;
	_ =	sdelay $0x1  }
0x81: {  	v3 =	vmul.f32 v3, v56;
	_ =	sdelay $0x1  }
0x82: {  	[tilespmem:s24+$0xFFFFFFC0] =	vst v3;
	v3 =	vld [tilespmem:s24+$0xFFFFFFD0];
	_ =	sdelay $0x4  }
0x83: {  	v3 =	vmul.f32 v3, v56;
	_ =	sdelay $0x1  }
0x84: {  	[tilespmem:s24+$0xFFFFFFD0] =	vst v3;
	v3 =	vld [tilespmem:s24+$0xFFFFFFE0];
	_ =	sdelay $0x4  }
0x85: {  	v3 =	vmul.f32 v3, v56;
	_ =	sdelay $0x1  }
0x86: {  	[tilespmem:s24+$0xFFFFFFE0] =	vst v3;
	v3 =	vld [tilespmem:s24+$0xFFFFFFF0];
	_ =	sdelay $0x4  }
0x87: {  	v3 =	vmul.f32 v3, v56;
	_ =	sdelay $0x1  }
0x88: {  	[tilespmem:s24+$0xFFFFFFF0] =	vst v3;
	v3 =	vld [tilespmem:s24+$0x0];
	_ =	sdelay $0x2  }
0x89: {  	v57 =	vbroadcast v2, $0x8;
	_ =	sdelay $0x1  }
0x8a: {  	v3 =	vmul.f32 v3, v57;
	_ =	sdelay $0x1  }
0x8b: {  	[tilespmem:s24+$0x0] =	vst v3;
	v3 =	vld [tilespmem:s24+$0x10];
	_ =	sdelay $0x4  }
0x8c: {  	v3 =	vmul.f32 v3, v57;
	_ =	sdelay $0x1  }
0x8d: {  	[tilespmem:s24+$0x10] =	vst v3;
	v3 =	vld [tilespmem:s24+$0x20];
	_ =	sdelay $0x4  }
0x8e: {  	v3 =	vmul.f32 v3, v57;
	_ =	sdelay $0x1  }
0x8f: {  	[tilespmem:s24+$0x20] =	vst v3;
	v3 =	vld [tilespmem:s24+$0x30];
	_ =	sdelay $0x4  }
0x90: {  	v3 =	vmul.f32 v3, v57;
	_ =	sdelay $0x1  }
0x91: {  	[tilespmem:s24+$0x30] =	vst v3;
	v3 =	vld [tilespmem:s24+$0x40];
	_ =	sdelay $0x2  }
0x92: {  	v58 =	vbroadcast v2, $0x9;
	_ =	sdelay $0x1  }
0x93: {  	v3 =	vmul.f32 v3, v58;
	_ =	sdelay $0x1  }
0x94: {  	[tilespmem:s24+$0x40] =	vst v3;
	v3 =	vld [tilespmem:s24+$0x50];
	_ =	sdelay $0x4  }
0x95: {  	v3 =	vmul.f32 v3, v58;
	_ =	sdelay $0x1  }
0x96: {  	[tilespmem:s24+$0x50] =	vst v3;
	v3 =	vld [tilespmem:s24+$0x60];
	_ =	sdelay $0x4  }
0x97: {  	v3 =	vmul.f32 v3, v58;
	_ =	sdelay $0x1  }
0x98: {  	[tilespmem:s24+$0x60] =	vst v3;
	v3 =	vld [tilespmem:s24+$0x70];
	_ =	sdelay $0x4  }
0x99: {  	v3 =	vmul.f32 v3, v58;
	_ =	sdelay $0x1  }
0x9a: {  	[tilespmem:s24+$0x70] =	vst v3;
	v3 =	vld [tilespmem:s24+$0x80];
	_ =	sdelay $0x2  }
0x9b: {  	v59 =	vbroadcast v2, $0xA;
	_ =	sdelay $0x1  }
0x9c: {  	v3 =	vmul.f32 v3, v59;
	_ =	sdelay $0x1  }
0x9d: {  	[tilespmem:s24+$0x80] =	vst v3;
	v3 =	vld [tilespmem:s24+$0x90];
	_ =	sdelay $0x4  }
0x9e: {  	v3 =	vmul.f32 v3, v59;
	_ =	sdelay $0x1  }
0x9f: {  	[tilespmem:s24+$0x90] =	vst v3;
	v3 =	vld [tilespmem:s24+$0xA0];
	_ =	sdelay $0x4  }
0xa0: {  	v3 =	vmul.f32 v3, v59;
	_ =	sdelay $0x1  }
0xa1: {  	[tilespmem:s24+$0xA0] =	vst v3;
	v3 =	vld [tilespmem:s24+$0xB0];
	_ =	sdelay $0x4  }
0xa2: {  	v3 =	vmul.f32 v3, v59;
	_ =	sdelay $0x1  }
0xa3: {  	[tilespmem:s24+$0xB0] =	vst v3;
	v3 =	vld [tilespmem:s24+$0xC0];
	_ =	sdelay $0x2  }
0xa4: {  	v60 =	vbroadcast v2, $0xB;
	_ =	sdelay $0x1  }
0xa5: {  	v3 =	vmul.f32 v3, v60;
	_ =	sdelay $0x1  }
0xa6: {  	[tilespmem:s24+$0xC0] =	vst v3;
	v3 =	vld [tilespmem:s24+$0xD0];
	_ =	sdelay $0x4  }
0xa7: {  	v3 =	vmul.f32 v3, v60;
	_ =	sdelay $0x1  }
0xa8: {  	[tilespmem:s24+$0xD0] =	vst v3;
	v3 =	vld [tilespmem:s24+$0xE0];
	_ =	sdelay $0x4  }
0xa9: {  	v3 =	vmul.f32 v3, v60;
	_ =	sdelay $0x1  }
0xaa: {  	[tilespmem:s24+$0xE0] =	vst v3;
	v3 =	vld [tilespmem:s24+$0xF0];
	_ =	sdelay $0x4  }
0xab: {  	v3 =	vmul.f32 v3, v60;
	_ =	sdelay $0x1  }
0xac: {  	[tilespmem:s24+$0xF0] =	vst v3;
	v3 =	vld [tilespmem:s24+$0x100];
	_ =	sdelay $0x2  }
0xad: {  	v61 =	vbroadcast v2, $0xC;
	_ =	sdelay $0x1  }
0xae: {  	v3 =	vmul.f32 v3, v61;
	_ =	sdelay $0x1  }
0xaf: {  	[tilespmem:s24+$0x100] =	vst v3;
	v3 =	vld [tilespmem:s24+$0x110];
	_ =	sdelay $0x4  }
0xb0: {  	v3 =	vmul.f32 v3, v61;
	_ =	sdelay $0x1  }
0xb1: {  	[tilespmem:s24+$0x110] =	vst v3;
	v3 =	vld [tilespmem:s24+$0x120];
	_ =	sdelay $0x4  }
0xb2: {  	v3 =	vmul.f32 v3, v61;
	_ =	sdelay $0x1  }
0xb3: {  	[tilespmem:s24+$0x120] =	vst v3;
	v3 =	vld [tilespmem:s24+$0x130];
	_ =	sdelay $0x4  }
0xb4: {  	v3 =	vmul.f32 v3, v61;
	_ =	sdelay $0x1  }
0xb5: {  	[tilespmem:s24+$0x130] =	vst v3;
	v3 =	vld [tilespmem:s24+$0x140];
	_ =	sdelay $0x2  }
0xb6: {  	v62 =	vbroadcast v2, $0xD;
	_ =	sdelay $0x1  }
0xb7: {  	v3 =	vmul.f32 v3, v62;
	_ =	sdelay $0x1  }
0xb8: {  	[tilespmem:s24+$0x140] =	vst v3;
	v3 =	vld [tilespmem:s24+$0x150];
	_ =	sdelay $0x4  }
0xb9: {  	v3 =	vmul.f32 v3, v62;
	_ =	sdelay $0x1  }
0xba: {  	[tilespmem:s24+$0x150] =	vst v3;
	v3 =	vld [tilespmem:s24+$0x160];
	_ =	sdelay $0x4  }
0xbb: {  	v3 =	vmul.f32 v3, v62;
	_ =	sdelay $0x1  }
0xbc: {  	[tilespmem:s24+$0x160] =	vst v3;
	v3 =	vld [tilespmem:s24+$0x170];
	_ =	sdelay $0x4  }
0xbd: {  	v3 =	vmul.f32 v3, v62;
	_ =	sdelay $0x1  }
0xbe: {  	[tilespmem:s24+$0x170] =	vst v3;
	v3 =	vld [tilespmem:s24+$0x180];
	_ =	sdelay $0x2  }
0xbf: {  	v63 =	vbroadcast v2, $0xE;
	_ =	sdelay $0x1  }
0xc0: {  	v3 =	vmul.f32 v3, v63;
	_ =	sdelay $0x1  }
0xc1: {  	[tilespmem:s24+$0x180] =	vst v3;
	v3 =	vld [tilespmem:s24+$0x190];
	_ =	sdelay $0x4  }
0xc2: {  	v3 =	vmul.f32 v3, v63;
	_ =	sdelay $0x1  }
0xc3: {  	[tilespmem:s24+$0x190] =	vst v3;
	v3 =	vld [tilespmem:s24+$0x1A0];
	_ =	sdelay $0x4  }
0xc4: {  	v3 =	vmul.f32 v3, v63;
	_ =	sdelay $0x1  }
0xc5: {  	[tilespmem:s24+$0x1A0] =	vst v3;
	v3 =	vld [tilespmem:s24+$0x1B0];
	_ =	sdelay $0x4  }
0xc6: {  	v3 =	vmul.f32 v3, v63;
	_ =	sdelay $0x1  }
0xc7: {  	[tilespmem:s24+$0x1B0] =	vst v3;
	v3 =	vld [tilespmem:s24+$0x1C0];
	_ =	sdelay $0x2  }
0xc8: {  	v2 =	vbroadcast v2, $0xF;
	_ =	sdelay $0x1  }
0xc9: {  	v3 =	vmul.f32 v3, v2;
	_ =	sdelay $0x1  }
0xca: {  	[tilespmem:s24+$0x1C0] =	vst v3;
	v3 =	vld [tilespmem:s24+$0x1D0];
	_ =	sdelay $0x4  }
0xcb: {  	v3 =	vmul.f32 v3, v2;
	_ =	sdelay $0x1  }
0xcc: {  	[tilespmem:s24+$0x1D0] =	vst v3;
	v3 =	vld [tilespmem:s24+$0x1E0];
	_ =	sdelay $0x4  }
0xcd: {  	v3 =	vmul.f32 v3, v2;
	_ =	sdelay $0x1  }
0xce: {  	[tilespmem:s24+$0x1E0] =	vst v3;
	v3 =	vld [tilespmem:s24+$0x1F0];
	_ =	sdelay $0x1  }
0xcf: {  	p0 =	sne.s32 s25, $0x100  }
.Ltmp1:
0xd0: {  	_ = 	snop;
	(pc) =	sbr.rel @p0 .LBB2_5-.Ltmp1, $3  }
0xd1: {  	_ = 	snop  }
0xd2: {  	v2 =	vmul.f32 v3, v2;
	_ =	sdelay $0x1  }
0xd3: {  	s25 =	sadd.s32 $0x40, s25;
	[tilespmem:s24+$0x1F0] =	vst v2;
	s24 =	sadd.s32 $0x400, s24  }
0xd4: {  	s23 =	sadd.s32 $0x1, s23  }
0xd5: {  	p0 =	sne.s32 s23, $0xFA  }
.Ltmp2:
0xd6: {  	_ = 	snop;
	(pc) =	sbr.rel @p0 .LBB2_4-.Ltmp2, $4  }
0xd7: {  	[spmem:s6] =	stream.indirect.scatter.add.f32 [tilespmem:s18], [sflag:$0x2], $0x40, s14, s16, $0xb8;
	[tilespmem:$0x15140] =	vst v63  }
0xd8: {  	_ =	swait.ge [sflag:s12], $0x1400  }
0xd9: {  	[sflag:s12] =	ssyncset.done $0x0  }
0xda: {  	[sflag:s12] =	ssyncadd.s32 $0xFFFFEC00  }
0xdb: {  	s7 =	sadd.s32 $0x1, s7  }
0xdc: {  	p0 =	sne.s32 s7, s11  }
.Ltmp3:
0xdd: {  	[bflag:$0x0] =	sbarrier.arrive $0xFFFF;
	(pc) =	sbr.rel @p0 .LBB2_1-.Ltmp3, $4  }
0xde: {  	[hbm:s10], [sflag:s20] =	dma.local [spmem:s21], $0x13C0  }
0xdf: {  	_ =	swait.ge [sflag:s12], $0x13C0  }
0xe0: {  	[sflag:s12] =	ssyncset.done $0x0  }
0xe1: {  	[sflag:s12] =	ssyncadd.s32 $0xFFFFEC40  }
0xe2: {  	_ =	sfence.sel $0x180000  }
0xe3: {  	[bflag:$0x0] =	sbarrier.arrive $0xFFFF  }
0xe4: {  	p0 =	sne.s32 s0, $0x0;
	_ =	strace $0x90000047  }
0xe5: {  	s0 =	sadd.s32 @!p0 $0x100000, s4;
	[bflag:$0x2] =	sbarrier.arrive $0xFFFF  }
0xe6: {  	[sflag:s0] =	ssyncadd.tile.s32 @!p0 $0x1;
	_ =	shalt  }
.Lfunc_end2:
_tile_overlayer_lowered:
.L_overlay_start_2:
0xe7: {  	(tag) =	ssettag $0x2  }
0xe8: {  	s0 =	rddreg [dreg:$0x0];
	s2 =	stileid.u32  }
0xe9: {  	s1 =	rddreg [dreg:$0x1];
	p0 =	sne.s32 s2, $0x0  }
0xea: {  	s3 =	rddreg [dreg:$0x2];
	[bflag:$0x3] =	sbarrier.arrive $0xFFFF;
	s2 =	simm.s32 @!p0 $0x1C02  }
0xeb: {  	[timem:s3], [sflag:s2] =	dma.local @!p0 [hbm:s0], s1  }
0xec: {  	s0 =	simm.s32 @!p0 $0x2  }
0xed: {  	_ =	swait.ge @!p0 [sflag:s0], s1  }
0xee: {  	s1 =	ssub.s32 @!p0 $0x0, s1;
	[sflag:s0] =	ssyncset.done @!p0 $0x0  }
0xef: {  	[sflag:s0] =	ssyncadd.s32 @!p0 s1  }
0xf0: {  	[bflag:$0x3] =	sbarrier.arrive $0xFFFF  }
0xf1: {  	_ =	shalt  }

</sc_bundles>
